<compile_context>
chip_gen: v7x
topology: tpu7x:2x2x1
jax: 0.10.2.dev20260603
libtpu: 0.0.44.dev20260713+nightly
codegen_flags: <defaults>
</compile_context>

<pallas_src>
import functools

import jax
import jax.numpy as jnp
from jax import lax
from jax.experimental import pallas as pl
from jax.experimental.pallas import tpu as pltpu
from jax.experimental.pallas import tpu_sc as plsc

_NUM_CORES = 2
_NUM_SUBCORES = 16
_NW = _NUM_CORES * _NUM_SUBCORES
_CHUNK = 3200
_LANES = 16
_GATHER_DNUMS = lax.GatherDimensionNumbers(
    offset_dims=(), collapsed_slice_dims=(0,), start_index_map=(0,))


@functools.partial(jax.jit, static_argnames=("n_edges", "dim"))
def _sc_embedding_lookup(table_t, edge_types, *, n_edges, dim):
    total_chunks = n_edges // _CHUNK
    assert total_chunks * _CHUNK == n_edges
    base_cnt = total_chunks // _NW
    rem = total_chunks % _NW
    max_cnt = base_cnt + (1 if rem else 0)
    max_cnt += max_cnt % 2
    mesh = plsc.VectorSubcoreMesh(core_axis_name="c", subcore_axis_name="s")

    @functools.partial(
        pl.kernel,
        mesh=mesh,
        out_type=jax.ShapeDtypeStruct((dim, n_edges), jnp.float32),
        scratch_types=[
            pltpu.VMEM((dim * _LANES,), jnp.float32),
            pltpu.VMEM((_CHUNK,), jnp.int32),
            pltpu.VMEM((_CHUNK,), jnp.int32),
            pltpu.VMEM((dim, _CHUNK), jnp.float32),
            pltpu.VMEM((dim, _CHUNK), jnp.float32),
            pltpu.SemaphoreType.DMA,
            pltpu.SemaphoreType.DMA,
            pltpu.SemaphoreType.DMA,
        ],
        compiler_params=pltpu.CompilerParams(needs_layout_passes=False),
    )
    def k(table_hbm, idx_hbm, out_hbm, table_v, idx0, idx1, rows0, rows1,
          isem, ssem0, ssem1):
        wid = lax.axis_index("s") * _NUM_CORES + lax.axis_index("c")
        n_w = base_cnt + jnp.where(wid < rem, 1, 0)
        start_w = wid * base_cnt + jnp.minimum(wid, rem)
        idx_bufs = (idx0, idx1)
        rows_bufs = (rows0, rows1)
        ssems = (ssem0, ssem1)

        pltpu.sync_copy(table_hbm, table_v)
        tcol = [table_v[pl.ds(d * _LANES, _LANES)] for d in range(dim)]
        pltpu.async_copy(
            idx_hbm.at[0, pl.ds(start_w * _CHUNK, _CHUNK)], idx0, isem)

        def compute_chunk(idx_v, rows_v):
            def grp(g, _):
                e0 = g * _LANES
                ivec = idx_v[pl.ds(e0, _LANES)][:, None]
                for d in range(dim):
                    rows_v[d, pl.ds(e0, _LANES)] = lax.gather(
                        tcol[d], ivec, _GATHER_DNUMS, (1,),
                        mode=lax.GatherScatterMode.PROMISE_IN_BOUNDS)
                return ()

            lax.fori_loop(0, _CHUNK // _LANES, grp, (), unroll=4)

        def outer(o, _):
            for b in range(2):
                i = o * 2 + b

                @pl.when(i < n_w)
                def _():
                    base = (start_w + i) * _CHUNK
                    pltpu.make_async_copy(
                        idx_hbm.at[0, pl.ds(base, _CHUNK)], idx_bufs[b], isem
                    ).wait()

                    @pl.when(i + 1 < n_w)
                    def _():
                        pltpu.async_copy(
                            idx_hbm.at[0, pl.ds(base + _CHUNK, _CHUNK)],
                            idx_bufs[1 - b], isem)

                    @pl.when(i >= 2)
                    def _():
                        pltpu.make_async_copy(
                            rows_bufs[b],
                            out_hbm.at[:, pl.ds(base, _CHUNK)],
                            ssems[b]).wait()

                    compute_chunk(idx_bufs[b], rows_bufs[b])
                    pltpu.async_copy(
                        rows_bufs[b], out_hbm.at[:, pl.ds(base, _CHUNK)],
                        ssems[b])
            return ()

        lax.fori_loop(0, max_cnt // 2, outer, ())

        for b in range(2):
            pltpu.make_async_copy(
                rows_bufs[b], out_hbm.at[:, pl.ds(0, _CHUNK)],
                ssems[b]).wait()

    return k(table_t, edge_types)


def kernel(edge_types, table):
    batch, n_edges = edge_types.shape
    n_types, dim = table.shape
    table_t = jnp.zeros((dim, _LANES), jnp.float32)
    table_t = table_t.at[:, :n_types].set(table.T).reshape(-1)
    out = _sc_embedding_lookup(
        table_t, edge_types.astype(jnp.int32), n_edges=n_edges, dim=dim)
    return out.T.reshape(batch, n_edges, dim)

# --- scband reference (transcript-rebuilt; emitter-appended) ---
"""Pipeline reference for scband-edge-type-embedding-31550829756724 (READ-ONLY COPY).

The authoritative reference and input builder live on the scoring server;
editing this copy changes nothing except your own understanding.
"""

import jax, jax.numpy as jnp
import numpy as np

NUM_EDGE_TYPES = 6
EDGE_DIM = 16
BATCH = 1
NUM_EDGES = 3200000

def setup_inputs(seed: int = 0) -> dict:
    key = jax.random.key(seed)
    k1, k2 = jax.random.split(key)
    edge_types = jax.random.randint(k1, (BATCH, NUM_EDGES), 0, NUM_EDGE_TYPES, dtype=jnp.int64 if jax.config.jax_enable_x64 else jnp.int32)
    # nn.Embedding default init: N(0, 1)
    table = jax.random.normal(k2, (NUM_EDGE_TYPES, EDGE_DIM), dtype=jnp.float32)
    return {"edge_types": edge_types, "table": table}

def reference(edge_types, table):
    # nn.Embedding lookup: gather rows of the table by index
    return jnp.take(table, edge_types, axis=0)

if __name__ == "__main__":
    import jax
    _d = setup_inputs()
    print(jax.jit(kernel)(*tuple(_d.values())))

</pallas_src>

<mosaic_0001>
#map = affine_map<(d0, d1) -> (0)>
#map1 = affine_map<(d0, d1) -> (0, 0)>
module attributes {stable_mosaic.version = 14 : i64} {
  func.func @k(%arg0: i32, %arg1: i32, %arg2: memref<256xf32, #tpu.memory_space<hbm>>, %arg3: memref<1x3200000xi32, #tpu.memory_space<hbm>>, %arg4: memref<16x3200000xf32, #tpu.memory_space<hbm>>, %arg5: memref<256xf32, #tpu.memory_space<vmem>>, %arg6: memref<3200xi32, #tpu.memory_space<vmem>>, %arg7: memref<3200xi32, #tpu.memory_space<vmem>>, %arg8: memref<16x3200xf32, #tpu.memory_space<vmem>>, %arg9: memref<16x3200xf32, #tpu.memory_space<vmem>>, %arg10: memref<!tpu.dma_semaphore, #tpu.memory_space<semaphore_mem>>, %arg11: memref<!tpu.dma_semaphore, #tpu.memory_space<semaphore_mem>>, %arg12: memref<!tpu.dma_semaphore, #tpu.memory_space<semaphore_mem>>) attributes {dimension_semantics = [#tpu.dimension_semantics<core_parallel>, #tpu.dimension_semantics<subcore_parallel>], iteration_bounds = array<i64: 2, 16>, scalar_prefetch = 0 : i64, scratch_operands = 8 : i64, tpu.core_type = #tpu.core_type<sc_vector_subcore>, window_params = [{transform_indices = #map}, {transform_indices = #map1}, {transform_indices = #map1}]} {
    %mul3A = arith.constant 2 : i32
    %mul3A_0 = arith.muli %arg1, %mul3A : i32
    %add3A = arith.addi %mul3A_0, %arg0 : i32
    %lt3A = arith.constant 8 : i32
    %lt3A_1 = arith.cmpi slt, %add3A, %lt3A : i32
    %jit3A = arith.constant 1 : i32
    %jit3A_2 = arith.constant 0 : i32
    %select_n3A = arith.select %lt3A_1, %jit3A, %jit3A_2 : i32
    %add3A_3 = arith.constant 31 : i32
    %add3A_4 = arith.addi %add3A_3, %select_n3A : i32
    %mul3A_5 = arith.constant 31 : i32
    %mul3A_6 = arith.muli %add3A, %mul3A_5 : i32
    %min3A = arith.constant 8 : i32
    %min3A_7 = arith.minsi %add3A, %min3A : i32
    %add3A_8 = arith.addi %mul3A_6, %min3A_7 : i32
    "tpu.region"() ({
      %run_scoped3A = tpu.sem_alloc : memref<!tpu.dma_semaphore, #tpu.memory_space<semaphore_mem>>
      tpu.enqueue_dma source(%arg2 : memref<256xf32, #tpu.memory_space<hbm>>) target(%arg5 : memref<256xf32, #tpu.memory_space<vmem>>) target_semaphore(%run_scoped3A : memref<!tpu.dma_semaphore, #tpu.memory_space<semaphore_mem>>)
      tpu.wait_dma2 semaphore(%run_scoped3A : memref<!tpu.dma_semaphore, #tpu.memory_space<semaphore_mem>>) src(%arg2 : memref<256xf32, #tpu.memory_space<hbm>>) dst(%arg5 : memref<256xf32, #tpu.memory_space<vmem>>)
      tpu.yield
    }) : () -> ()
    %get3A = arith.constant 0 : index
    %get3A_9 = tpu.vector_load %arg5[%get3A] {strides = array<i32>} : memref<256xf32, #tpu.memory_space<vmem>>, vector<16xf32>,
    %get3A_10 = arith.constant 16 : index
    %get3A_11 = tpu.vector_load %arg5[%get3A_10] {strides = array<i32>} : memref<256xf32, #tpu.memory_space<vmem>>, vector<16xf32>,
    %get3A_12 = arith.constant 32 : index
    %get3A_13 = tpu.vector_load %arg5[%get3A_12] {strides = array<i32>} : memref<256xf32, #tpu.memory_space<vmem>>, vector<16xf32>,
    %get3A_14 = arith.constant 48 : index
    %get3A_15 = tpu.vector_load %arg5[%get3A_14] {strides = array<i32>} : memref<256xf32, #tpu.memory_space<vmem>>, vector<16xf32>,
    %get3A_16 = arith.constant 64 : index
    %get3A_17 = tpu.vector_load %arg5[%get3A_16] {strides = array<i32>} : memref<256xf32, #tpu.memory_space<vmem>>, vector<16xf32>,
    %get3A_18 = arith.constant 80 : index
    %get3A_19 = tpu.vector_load %arg5[%get3A_18] {strides = array<i32>} : memref<256xf32, #tpu.memory_space<vmem>>, vector<16xf32>,
    %get3A_20 = arith.constant 96 : index
    %get3A_21 = tpu.vector_load %arg5[%get3A_20] {strides = array<i32>} : memref<256xf32, #tpu.memory_space<vmem>>, vector<16xf32>,
    %get3A_22 = arith.constant 112 : index
    %get3A_23 = tpu.vector_load %arg5[%get3A_22] {strides = array<i32>} : memref<256xf32, #tpu.memory_space<vmem>>, vector<16xf32>,
    %get3A_24 = arith.constant 128 : index
    %get3A_25 = tpu.vector_load %arg5[%get3A_24] {strides = array<i32>} : memref<256xf32, #tpu.memory_space<vmem>>, vector<16xf32>,
    %get3A_26 = arith.constant 144 : index
    %get3A_27 = tpu.vector_load %arg5[%get3A_26] {strides = array<i32>} : memref<256xf32, #tpu.memory_space<vmem>>, vector<16xf32>,
    %get3A_28 = arith.constant 160 : index
    %get3A_29 = tpu.vector_load %arg5[%get3A_28] {strides = array<i32>} : memref<256xf32, #tpu.memory_space<vmem>>, vector<16xf32>,
    %get3A_30 = arith.constant 176 : index
    %get3A_31 = tpu.vector_load %arg5[%get3A_30] {strides = array<i32>} : memref<256xf32, #tpu.memory_space<vmem>>, vector<16xf32>,
    %get3A_32 = arith.constant 192 : index
    %get3A_33 = tpu.vector_load %arg5[%get3A_32] {strides = array<i32>} : memref<256xf32, #tpu.memory_space<vmem>>, vector<16xf32>,
    %get3A_34 = arith.constant 208 : index
    %get3A_35 = tpu.vector_load %arg5[%get3A_34] {strides = array<i32>} : memref<256xf32, #tpu.memory_space<vmem>>, vector<16xf32>,
    %get3A_36 = arith.constant 224 : index
    %get3A_37 = tpu.vector_load %arg5[%get3A_36] {strides = array<i32>} : memref<256xf32, #tpu.memory_space<vmem>>, vector<16xf32>,
    %get3A_38 = arith.constant 240 : index
    %get3A_39 = tpu.vector_load %arg5[%get3A_38] {strides = array<i32>} : memref<256xf32, #tpu.memory_space<vmem>>, vector<16xf32>,
    %mul3A_40 = arith.constant 3200 : i32
    %mul3A_41 = arith.muli %add3A_8, %mul3A_40 : i32
    %dma_start3A = arith.constant 0 : i32
    %dma_start3A_42 = tpu.memref_slice %arg3[%dma_start3A, %mul3A_41] : memref<1x3200000xi32, #tpu.memory_space<hbm>> -> memref<1x3200xi32, #tpu.memory_space<hbm>>
    %dma_start3A_43 = tpu.memref_squeeze %dma_start3A_42 : memref<1x3200xi32, #tpu.memory_space<hbm>> -> memref<3200xi32, #tpu.memory_space<hbm>>
    %dma_start3A_44 = tpu.memref_slice %arg3[%dma_start3A, %mul3A_41] : memref<1x3200000xi32, #tpu.memory_space<hbm>> -> memref<1x3200xi32, #tpu.memory_space<hbm>>
    %dma_start3A_45 = tpu.memref_squeeze %dma_start3A_44 : memref<1x3200xi32, #tpu.memory_space<hbm>> -> memref<3200xi32, #tpu.memory_space<hbm>>
    tpu.enqueue_dma source(%dma_start3A_45 : memref<3200xi32, #tpu.memory_space<hbm>>) target(%arg6 : memref<3200xi32, #tpu.memory_space<vmem>>) target_semaphore(%arg10 : memref<!tpu.dma_semaphore, #tpu.memory_space<semaphore_mem>>)
    %scan3A = arith.constant 0 : i32
    %scan3A_46 = arith.constant 16 : i32
    %scan3A_47 = arith.addi %scan3A, %scan3A_46 : i32
    %scan3A_48 = arith.constant 1 : i32
    scf.for %scan3A_61 = %scan3A to %scan3A_47 step %scan3A_48  : i32 {
      %mul3A_62 = arith.constant 2 : i32
      %mul3A_63 = arith.muli %scan3A_61, %mul3A_62 : i32
      %add3A_64 = arith.constant 0 : i32
      %add3A_65 = arith.addi %mul3A_63, %add3A_64 : i32
      %lt3A_66 = arith.cmpi slt, %add3A_65, %add3A_4 : i32
      %convert_element_type3A = arith.extui %lt3A_66 : i1 to i32
      %cond3A = arith.constant 0 : i32
      %cond3A_67 = arith.cmpi ne, %convert_element_type3A, %cond3A : i32
      scf.if %cond3A_67 {
        %add3A_76 = arith.addi %add3A_8, %add3A_65 : i32
        %mul3A_77 = arith.constant 3200 : i32
        %mul3A_78 = arith.muli %add3A_76, %mul3A_77 : i32
        %dma_wait3A_79 = arith.constant 0 : i32
        %dma_wait3A_80 = tpu.memref_slice %arg3[%dma_wait3A_79, %mul3A_78] : memref<1x3200000xi32, #tpu.memory_space<hbm>> -> memref<1x3200xi32, #tpu.memory_space<hbm>>
        %dma_wait3A_81 = tpu.memref_squeeze %dma_wait3A_80 : memref<1x3200xi32, #tpu.memory_space<hbm>> -> memref<3200xi32, #tpu.memory_space<hbm>>
        %dma_wait3A_82 = tpu.memref_slice %arg3[%dma_wait3A_79, %mul3A_78] : memref<1x3200000xi32, #tpu.memory_space<hbm>> -> memref<1x3200xi32, #tpu.memory_space<hbm>>
        %dma_wait3A_83 = tpu.memref_squeeze %dma_wait3A_82 : memref<1x3200xi32, #tpu.memory_space<hbm>> -> memref<3200xi32, #tpu.memory_space<hbm>>
        tpu.wait_dma2 semaphore(%arg10 : memref<!tpu.dma_semaphore, #tpu.memory_space<semaphore_mem>>) src(%dma_wait3A_83 : memref<3200xi32, #tpu.memory_space<hbm>>) dst(%arg6 : memref<3200xi32, #tpu.memory_space<vmem>>)
        %add3A_84 = arith.constant 1 : i32
        %add3A_85 = arith.addi %add3A_65, %add3A_84 : i32
        %lt3A_86 = arith.cmpi slt, %add3A_85, %add3A_4 : i32
        %convert_element_type3A_87 = arith.extui %lt3A_86 : i1 to i32
        %cond3A_88 = arith.constant 0 : i32
        %cond3A_89 = arith.cmpi ne, %convert_element_type3A_87, %cond3A_88 : i32
        scf.if %cond3A_89 {
          %add3A_103 = arith.constant 3200 : i32
          %add3A_104 = arith.addi %mul3A_78, %add3A_103 : i32
          %dma_start3A_105 = arith.constant 0 : i32
          %dma_start3A_106 = tpu.memref_slice %arg3[%dma_start3A_105, %add3A_104] : memref<1x3200000xi32, #tpu.memory_space<hbm>> -> memref<1x3200xi32, #tpu.memory_space<hbm>>
          %dma_start3A_107 = tpu.memref_squeeze %dma_start3A_106 : memref<1x3200xi32, #tpu.memory_space<hbm>> -> memref<3200xi32, #tpu.memory_space<hbm>>
          %dma_start3A_108 = tpu.memref_slice %arg3[%dma_start3A_105, %add3A_104] : memref<1x3200000xi32, #tpu.memory_space<hbm>> -> memref<1x3200xi32, #tpu.memory_space<hbm>>
          %dma_start3A_109 = tpu.memref_squeeze %dma_start3A_108 : memref<1x3200xi32, #tpu.memory_space<hbm>> -> memref<3200xi32, #tpu.memory_space<hbm>>
          tpu.enqueue_dma source(%dma_start3A_109 : memref<3200xi32, #tpu.memory_space<hbm>>) target(%arg7 : memref<3200xi32, #tpu.memory_space<vmem>>) target_semaphore(%arg10 : memref<!tpu.dma_semaphore, #tpu.memory_space<semaphore_mem>>)
        } else {
        }
        %ge3A = arith.constant 2 : i32
        %ge3A_90 = arith.cmpi sge, %add3A_65, %ge3A : i32
        %convert_element_type3A_91 = arith.extui %ge3A_90 : i1 to i32
        %cond3A_92 = arith.constant 0 : i32
        %cond3A_93 = arith.cmpi ne, %convert_element_type3A_91, %cond3A_92 : i32
        scf.if %cond3A_93 {
          %dma_wait3A_103 = arith.constant 0 : i32
          %dma_wait3A_104 = tpu.memref_slice %arg4[%dma_wait3A_103, %mul3A_78] : memref<16x3200000xf32, #tpu.memory_space<hbm>> -> memref<16x3200xf32, #tpu.memory_space<hbm>>
          %dma_wait3A_105 = arith.constant 0 : i32
          %dma_wait3A_106 = tpu.memref_slice %arg4[%dma_wait3A_105, %mul3A_78] : memref<16x3200000xf32, #tpu.memory_space<hbm>> -> memref<16x3200xf32, #tpu.memory_space<hbm>>
          tpu.wait_dma2 semaphore(%arg11 : memref<!tpu.dma_semaphore, #tpu.memory_space<semaphore_mem>>) src(%arg8 : memref<16x3200xf32, #tpu.memory_space<vmem>>) dst(%dma_wait3A_106 : memref<16x3200xf32, #tpu.memory_space<hbm>>)
        } else {
        }
        %scan3A_94 = arith.constant 0 : i32
        %scan3A_95 = arith.constant 200 : i32
        %scan3A_96 = arith.addi %scan3A_94, %scan3A_95 : i32
        %scan3A_97 = arith.constant 4 : i32
        scf.for %scan3A_103 = %scan3A_94 to %scan3A_96 step %scan3A_97  : i32 {
          %mul3A_104 = arith.constant 16 : i32
          %mul3A_105 = arith.muli %scan3A_103, %mul3A_104 : i32
          %get3A_106 = arith.index_cast %mul3A_105 : i32 to index
          %get3A_107 = tpu.vector_load %arg6[%get3A_106] {strides = array<i32>} : memref<3200xi32, #tpu.memory_space<vmem>>, vector<16xi32>,
          %broadcast_in_dim3A = vector.shape_cast %get3A_107 : vector<16xi32> to vector<16x1xi32>
          %gather3A = vector.shape_cast %broadcast_in_dim3A : vector<16x1xi32> to vector<16xi32>
          %gather3A_108 = tpu.dynamic_gather %get3A_9[%gather3A] in [0] : vector<16xf32>, vector<16xi32> -> vector<16xf32>
          %swap3A = arith.constant 0 : i32
          %swap3A_109 = arith.index_cast %swap3A : i32 to index
          %swap3A_110 = arith.index_cast %mul3A_105 : i32 to index
          %swap3A_111 = tpu.vector_load %arg8[%swap3A_109, %swap3A_110] {strides = array<i32>} : memref<16x3200xf32, #tpu.memory_space<vmem>>, vector<16xf32>,
          tpu.vector_store %arg8[%swap3A_109, %swap3A_110], %gather3A_108 {strides = array<i32>} : memref<16x3200xf32, #tpu.memory_space<vmem>>, vector<16xf32>,
          %gather3A_112 = vector.shape_cast %broadcast_in_dim3A : vector<16x1xi32> to vector<16xi32>
          %gather3A_113 = tpu.dynamic_gather %get3A_11[%gather3A_112] in [0] : vector<16xf32>, vector<16xi32> -> vector<16xf32>
          %swap3A_114 = arith.constant 1 : i32
          %swap3A_115 = arith.index_cast %swap3A_114 : i32 to index
          %swap3A_116 = arith.index_cast %mul3A_105 : i32 to index
          %swap3A_117 = tpu.vector_load %arg8[%swap3A_115, %swap3A_116] {strides = array<i32>} : memref<16x3200xf32, #tpu.memory_space<vmem>>, vector<16xf32>,
          tpu.vector_store %arg8[%swap3A_115, %swap3A_116], %gather3A_113 {strides = array<i32>} : memref<16x3200xf32, #tpu.memory_space<vmem>>, vector<16xf32>,
          %gather3A_118 = vector.shape_cast %broadcast_in_dim3A : vector<16x1xi32> to vector<16xi32>
          %gather3A_119 = tpu.dynamic_gather %get3A_13[%gather3A_118] in [0] : vector<16xf32>, vector<16xi32> -> vector<16xf32>
          %swap3A_120 = arith.constant 2 : i32
          %swap3A_121 = arith.index_cast %swap3A_120 : i32 to index
          %swap3A_122 = arith.index_cast %mul3A_105 : i32 to index
          %swap3A_123 = tpu.vector_load %arg8[%swap3A_121, %swap3A_122] {strides = array<i32>} : memref<16x3200xf32, #tpu.memory_space<vmem>>, vector<16xf32>,
          tpu.vector_store %arg8[%swap3A_121, %swap3A_122], %gather3A_119 {strides = array<i32>} : memref<16x3200xf32, #tpu.memory_space<vmem>>, vector<16xf32>,
          %gather3A_124 = vector.shape_cast %broadcast_in_dim3A : vector<16x1xi32> to vector<16xi32>
          %gather3A_125 = tpu.dynamic_gather %get3A_15[%gather3A_124] in [0] : vector<16xf32>, vector<16xi32> -> vector<16xf32>
          %swap3A_126 = arith.constant 3 : i32
          %swap3A_127 = arith.index_cast %swap3A_126 : i32 to index
          %swap3A_128 = arith.index_cast %mul3A_105 : i32 to index
          %swap3A_129 = tpu.vector_load %arg8[%swap3A_127, %swap3A_128] {strides = array<i32>} : memref<16x3200xf32, #tpu.memory_space<vmem>>, vector<16xf32>,
          tpu.vector_store %arg8[%swap3A_127, %swap3A_128], %gather3A_125 {strides = array<i32>} : memref<16x3200xf32, #tpu.memory_space<vmem>>, vector<16xf32>,
          %gather3A_130 = vector.shape_cast %broadcast_in_dim3A : vector<16x1xi32> to vector<16xi32>
          %gather3A_131 = tpu.dynamic_gather %get3A_17[%gather3A_130] in [0] : vector<16xf32>, vector<16xi32> -> vector<16xf32>
          %swap3A_132 = arith.constant 4 : i32
          %swap3A_133 = arith.index_cast %swap3A_132 : i32 to index
          %swap3A_134 = arith.index_cast %mul3A_105 : i32 to index
          %swap3A_135 = tpu.vector_load %arg8[%swap3A_133, %swap3A_134] {strides = array<i32>} : memref<16x3200xf32, #tpu.memory_space<vmem>>, vector<16xf32>,
          tpu.vector_store %arg8[%swap3A_133, %swap3A_134], %gather3A_131 {strides = array<i32>} : memref<16x3200xf32, #tpu.memory_space<vmem>>, vector<16xf32>,
          %gather3A_136 = vector.shape_cast %broadcast_in_dim3A : vector<16x1xi32> to vector<16xi32>
          %gather3A_137 = tpu.dynamic_gather %get3A_19[%gather3A_136] in [0] : vector<16xf32>, vector<16xi32> -> vector<16xf32>
          %swap3A_138 = arith.constant 5 : i32
          %swap3A_139 = arith.index_cast %swap3A_138 : i32 to index
          %swap3A_140 = arith.index_cast %mul3A_105 : i32 to index
          %swap3A_141 = tpu.vector_load %arg8[%swap3A_139, %swap3A_140] {strides = array<i32>} : memref<16x3200xf32, #tpu.memory_space<vmem>>, vector<16xf32>,
          tpu.vector_store %arg8[%swap3A_139, %swap3A_140], %gather3A_137 {strides = array<i32>} : memref<16x3200xf32, #tpu.memory_space<vmem>>, vector<16xf32>,
          %gather3A_142 = vector.shape_cast %broadcast_in_dim3A : vector<16x1xi32> to vector<16xi32>
          %gather3A_143 = tpu.dynamic_gather %get3A_21[%gather3A_142] in [0] : vector<16xf32>, vector<16xi32> -> vector<16xf32>
          %swap3A_144 = arith.constant 6 : i32
          %swap3A_145 = arith.index_cast %swap3A_144 : i32 to index
          %swap3A_146 = arith.index_cast %mul3A_105 : i32 to index
          %swap3A_147 = tpu.vector_load %arg8[%swap3A_145, %swap3A_146] {strides = array<i32>} : memref<16x3200xf32, #tpu.memory_space<vmem>>, vector<16xf32>,
          tpu.vector_store %arg8[%swap3A_145, %swap3A_146], %gather3A_143 {strides = array<i32>} : memref<16x3200xf32, #tpu.memory_space<vmem>>, vector<16xf32>,
          %gather3A_148 = vector.shape_cast %broadcast_in_dim3A : vector<16x1xi32> to vector<16xi32>
          %gather3A_149 = tpu.dynamic_gather %get3A_23[%gather3A_148] in [0] : vector<16xf32>, vector<16xi32> -> vector<16xf32>
          %swap3A_150 = arith.constant 7 : i32
          %swap3A_151 = arith.index_cast %swap3A_150 : i32 to index
          %swap3A_152 = arith.index_cast %mul3A_105 : i32 to index
          %swap3A_153 = tpu.vector_load %arg8[%swap3A_151, %swap3A_152] {strides = array<i32>} : memref<16x3200xf32, #tpu.memory_space<vmem>>, vector<16xf32>,
          tpu.vector_store %arg8[%swap3A_151, %swap3A_152], %gather3A_149 {strides = array<i32>} : memref<16x3200xf32, #tpu.memory_space<vmem>>, vector<16xf32>,
          %gather3A_154 = vector.shape_cast %broadcast_in_dim3A : vector<16x1xi32> to vector<16xi32>
          %gather3A_155 = tpu.dynamic_gather %get3A_25[%gather3A_154] in [0] : vector<16xf32>, vector<16xi32> -> vector<16xf32>
          %swap3A_156 = arith.constant 8 : i32
          %swap3A_157 = arith.index_cast %swap3A_156 : i32 to index
          %swap3A_158 = arith.index_cast %mul3A_105 : i32 to index
          %swap3A_159 = tpu.vector_load %arg8[%swap3A_157, %swap3A_158] {strides = array<i32>} : memref<16x3200xf32, #tpu.memory_space<vmem>>, vector<16xf32>,
          tpu.vector_store %arg8[%swap3A_157, %swap3A_158], %gather3A_155 {strides = array<i32>} : memref<16x3200xf32, #tpu.memory_space<vmem>>, vector<16xf32>,
          %gather3A_160 = vector.shape_cast %broadcast_in_dim3A : vector<16x1xi32> to vector<16xi32>
          %gather3A_161 = tpu.dynamic_gather %get3A_27[%gather3A_160] in [0] : vector<16xf32>, vector<16xi32> -> vector<16xf32>
          %swap3A_162 = arith.constant 9 : i32
          %swap3A_163 = arith.index_cast %swap3A_162 : i32 to index
          %swap3A_164 = arith.index_cast %mul3A_105 : i32 to index
          %swap3A_165 = tpu.vector_load %arg8[%swap3A_163, %swap3A_164] {strides = array<i32>} : memref<16x3200xf32, #tpu.memory_space<vmem>>, vector<16xf32>,
          tpu.vector_store %arg8[%swap3A_163, %swap3A_164], %gather3A_161 {strides = array<i32>} : memref<16x3200xf32, #tpu.memory_space<vmem>>, vector<16xf32>,
          %gather3A_166 = vector.shape_cast %broadcast_in_dim3A : vector<16x1xi32> to vector<16xi32>
          %gather3A_167 = tpu.dynamic_gather %get3A_29[%gather3A_166] in [0] : vector<16xf32>, vector<16xi32> -> vector<16xf32>
          %swap3A_168 = arith.constant 10 : i32
          %swap3A_169 = arith.index_cast %swap3A_168 : i32 to index
          %swap3A_170 = arith.index_cast %mul3A_105 : i32 to index
          %swap3A_171 = tpu.vector_load %arg8[%swap3A_169, %swap3A_170] {strides = array<i32>} : memref<16x3200xf32, #tpu.memory_space<vmem>>, vector<16xf32>,
          tpu.vector_store %arg8[%swap3A_169, %swap3A_170], %gather3A_167 {strides = array<i32>} : memref<16x3200xf32, #tpu.memory_space<vmem>>, vector<16xf32>,
          %gather3A_172 = vector.shape_cast %broadcast_in_dim3A : vector<16x1xi32> to vector<16xi32>
          %gather3A_173 = tpu.dynamic_gather %get3A_31[%gather3A_172] in [0] : vector<16xf32>, vector<16xi32> -> vector<16xf32>
          %swap3A_174 = arith.constant 11 : i32
          %swap3A_175 = arith.index_cast %swap3A_174 : i32 to index
          %swap3A_176 = arith.index_cast %mul3A_105 : i32 to index
          %swap3A_177 = tpu.vector_load %arg8[%swap3A_175, %swap3A_176] {strides = array<i32>} : memref<16x3200xf32, #tpu.memory_space<vmem>>, vector<16xf32>,
          tpu.vector_store %arg8[%swap3A_175, %swap3A_176], %gather3A_173 {strides = array<i32>} : memref<16x3200xf32, #tpu.memory_space<vmem>>, vector<16xf32>,
          %gather3A_178 = vector.shape_cast %broadcast_in_dim3A : vector<16x1xi32> to vector<16xi32>
          %gather3A_179 = tpu.dynamic_gather %get3A_33[%gather3A_178] in [0] : vector<16xf32>, vector<16xi32> -> vector<16xf32>
          %swap3A_180 = arith.constant 12 : i32
          %swap3A_181 = arith.index_cast %swap3A_180 : i32 to index
          %swap3A_182 = arith.index_cast %mul3A_105 : i32 to index
          %swap3A_183 = tpu.vector_load %arg8[%swap3A_181, %swap3A_182] {strides = array<i32>} : memref<16x3200xf32, #tpu.memory_space<vmem>>, vector<16xf32>,
          tpu.vector_store %arg8[%swap3A_181, %swap3A_182], %gather3A_179 {strides = array<i32>} : memref<16x3200xf32, #tpu.memory_space<vmem>>, vector<16xf32>,
          %gather3A_184 = vector.shape_cast %broadcast_in_dim3A : vector<16x1xi32> to vector<16xi32>
          %gather3A_185 = tpu.dynamic_gather %get3A_35[%gather3A_184] in [0] : vector<16xf32>, vector<16xi32> -> vector<16xf32>
          %swap3A_186 = arith.constant 13 : i32
          %swap3A_187 = arith.index_cast %swap3A_186 : i32 to index
          %swap3A_188 = arith.index_cast %mul3A_105 : i32 to index
          %swap3A_189 = tpu.vector_load %arg8[%swap3A_187, %swap3A_188] {strides = array<i32>} : memref<16x3200xf32, #tpu.memory_space<vmem>>, vector<16xf32>,
          tpu.vector_store %arg8[%swap3A_187, %swap3A_188], %gather3A_185 {strides = array<i32>} : memref<16x3200xf32, #tpu.memory_space<vmem>>, vector<16xf32>,
          %gather3A_190 = vector.shape_cast %broadcast_in_dim3A : vector<16x1xi32> to vector<16xi32>
          %gather3A_191 = tpu.dynamic_gather %get3A_37[%gather3A_190] in [0] : vector<16xf32>, vector<16xi32> -> vector<16xf32>
          %swap3A_192 = arith.constant 14 : i32
          %swap3A_193 = arith.index_cast %swap3A_192 : i32 to index
          %swap3A_194 = arith.index_cast %mul3A_105 : i32 to index
          %swap3A_195 = tpu.vector_load %arg8[%swap3A_193, %swap3A_194] {strides = array<i32>} : memref<16x3200xf32, #tpu.memory_space<vmem>>, vector<16xf32>,
          tpu.vector_store %arg8[%swap3A_193, %swap3A_194], %gather3A_191 {strides = array<i32>} : memref<16x3200xf32, #tpu.memory_space<vmem>>, vector<16xf32>,
          %gather3A_196 = vector.shape_cast %broadcast_in_dim3A : vector<16x1xi32> to vector<16xi32>
          %gather3A_197 = tpu.dynamic_gather %get3A_39[%gather3A_196] in [0] : vector<16xf32>, vector<16xi32> -> vector<16xf32>
          %swap3A_198 = arith.constant 15 : i32
          %swap3A_199 = arith.index_cast %swap3A_198 : i32 to index
          %swap3A_200 = arith.index_cast %mul3A_105 : i32 to index
          %swap3A_201 = tpu.vector_load %arg8[%swap3A_199, %swap3A_200] {strides = array<i32>} : memref<16x3200xf32, #tpu.memory_space<vmem>>, vector<16xf32>,
          tpu.vector_store %arg8[%swap3A_199, %swap3A_200], %gather3A_197 {strides = array<i32>} : memref<16x3200xf32, #tpu.memory_space<vmem>>, vector<16xf32>,
          %scan3A_202 = arith.constant 1 : i32
          %scan3A_203 = arith.addi %scan3A_103, %scan3A_202 : i32
          %mul3A_204 = arith.constant 16 : i32
          %mul3A_205 = arith.muli %scan3A_203, %mul3A_204 : i32
          %get3A_206 = arith.index_cast %mul3A_205 : i32 to index
          %get3A_207 = tpu.vector_load %arg6[%get3A_206] {strides = array<i32>} : memref<3200xi32, #tpu.memory_space<vmem>>, vector<16xi32>,
          %broadcast_in_dim3A_208 = vector.shape_cast %get3A_207 : vector<16xi32> to vector<16x1xi32>
          %gather3A_209 = vector.shape_cast %broadcast_in_dim3A_208 : vector<16x1xi32> to vector<16xi32>
          %gather3A_210 = tpu.dynamic_gather %get3A_9[%gather3A_209] in [0] : vector<16xf32>, vector<16xi32> -> vector<16xf32>
          %swap3A_211 = arith.constant 0 : i32
          %swap3A_212 = arith.index_cast %swap3A_211 : i32 to index
          %swap3A_213 = arith.index_cast %mul3A_205 : i32 to index
          %swap3A_214 = tpu.vector_load %arg8[%swap3A_212, %swap3A_213] {strides = array<i32>} : memref<16x3200xf32, #tpu.memory_space<vmem>>, vector<16xf32>,
          tpu.vector_store %arg8[%swap3A_212, %swap3A_213], %gather3A_210 {strides = array<i32>} : memref<16x3200xf32, #tpu.memory_space<vmem>>, vector<16xf32>,
          %gather3A_215 = vector.shape_cast %broadcast_in_dim3A_208 : vector<16x1xi32> to vector<16xi32>
          %gather3A_216 = tpu.dynamic_gather %get3A_11[%gather3A_215] in [0] : vector<16xf32>, vector<16xi32> -> vector<16xf32>
          %swap3A_217 = arith.constant 1 : i32
          %swap3A_218 = arith.index_cast %swap3A_217 : i32 to index
          %swap3A_219 = arith.index_cast %mul3A_205 : i32 to index
          %swap3A_220 = tpu.vector_load %arg8[%swap3A_218, %swap3A_219] {strides = array<i32>} : memref<16x3200xf32, #tpu.memory_space<vmem>>, vector<16xf32>,
          tpu.vector_store %arg8[%swap3A_218, %swap3A_219], %gather3A_216 {strides = array<i32>} : memref<16x3200xf32, #tpu.memory_space<vmem>>, vector<16xf32>,
          %gather3A_221 = vector.shape_cast %broadcast_in_dim3A_208 : vector<16x1xi32> to vector<16xi32>
          %gather3A_222 = tpu.dynamic_gather %get3A_13[%gather3A_221] in [0] : vector<16xf32>, vector<16xi32> -> vector<16xf32>
          %swap3A_223 = arith.constant 2 : i32
          %swap3A_224 = arith.index_cast %swap3A_223 : i32 to index
          %swap3A_225 = arith.index_cast %mul3A_205 : i32 to index
          %swap3A_226 = tpu.vector_load %arg8[%swap3A_224, %swap3A_225] {strides = array<i32>} : memref<16x3200xf32, #tpu.memory_space<vmem>>, vector<16xf32>,
          tpu.vector_store %arg8[%swap3A_224, %swap3A_225], %gather3A_222 {strides = array<i32>} : memref<16x3200xf32, #tpu.memory_space<vmem>>, vector<16xf32>,
          %gather3A_227 = vector.shape_cast %broadcast_in_dim3A_208 : vector<16x1xi32> to vector<16xi32>
          %gather3A_228 = tpu.dynamic_gather %get3A_15[%gather3A_227] in [0] : vector<16xf32>, vector<16xi32> -> vector<16xf32>
          %swap3A_229 = arith.constant 3 : i32
          %swap3A_230 = arith.index_cast %swap3A_229 : i32 to index
          %swap3A_231 = arith.index_cast %mul3A_205 : i32 to index
          %swap3A_232 = tpu.vector_load %arg8[%swap3A_230, %swap3A_231] {strides = array<i32>} : memref<16x3200xf32, #tpu.memory_space<vmem>>, vector<16xf32>,
          tpu.vector_store %arg8[%swap3A_230, %swap3A_231], %gather3A_228 {strides = array<i32>} : memref<16x3200xf32, #tpu.memory_space<vmem>>, vector<16xf32>,
          %gather3A_233 = vector.shape_cast %broadcast_in_dim3A_208 : vector<16x1xi32> to vector<16xi32>
          %gather3A_234 = tpu.dynamic_gather %get3A_17[%gather3A_233] in [0] : vector<16xf32>, vector<16xi32> -> vector<16xf32>
          %swap3A_235 = arith.constant 4 : i32
          %swap3A_236 = arith.index_cast %swap3A_235 : i32 to index
          %swap3A_237 = arith.index_cast %mul3A_205 : i32 to index
          %swap3A_238 = tpu.vector_load %arg8[%swap3A_236, %swap3A_237] {strides = array<i32>} : memref<16x3200xf32, #tpu.memory_space<vmem>>, vector<16xf32>,
          tpu.vector_store %arg8[%swap3A_236, %swap3A_237], %gather3A_234 {strides = array<i32>} : memref<16x3200xf32, #tpu.memory_space<vmem>>, vector<16xf32>,
          %gather3A_239 = vector.shape_cast %broadcast_in_dim3A_208 : vector<16x1xi32> to vector<16xi32>
          %gather3A_240 = tpu.dynamic_gather %get3A_19[%gather3A_239] in [0] : vector<16xf32>, vector<16xi32> -> vector<16xf32>
          %swap3A_241 = arith.constant 5 : i32
          %swap3A_242 = arith.index_cast %swap3A_241 : i32 to index
          %swap3A_243 = arith.index_cast %mul3A_205 : i32 to index
          %swap3A_244 = tpu.vector_load %arg8[%swap3A_242, %swap3A_243] {strides = array<i32>} : memref<16x3200xf32, #tpu.memory_space<vmem>>, vector<16xf32>,
          tpu.vector_store %arg8[%swap3A_242, %swap3A_243], %gather3A_240 {strides = array<i32>} : memref<16x3200xf32, #tpu.memory_space<vmem>>, vector<16xf32>,
          %gather3A_245 = vector.shape_cast %broadcast_in_dim3A_208 : vector<16x1xi32> to vector<16xi32>
          %gather3A_246 = tpu.dynamic_gather %get3A_21[%gather3A_245] in [0] : vector<16xf32>, vector<16xi32> -> vector<16xf32>
          %swap3A_247 = arith.constant 6 : i32
          %swap3A_248 = arith.index_cast %swap3A_247 : i32 to index
          %swap3A_249 = arith.index_cast %mul3A_205 : i32 to index
          %swap3A_250 = tpu.vector_load %arg8[%swap3A_248, %swap3A_249] {strides = array<i32>} : memref<16x3200xf32, #tpu.memory_space<vmem>>, vector<16xf32>,
          tpu.vector_store %arg8[%swap3A_248, %swap3A_249], %gather3A_246 {strides = array<i32>} : memref<16x3200xf32, #tpu.memory_space<vmem>>, vector<16xf32>,
          %gather3A_251 = vector.shape_cast %broadcast_in_dim3A_208 : vector<16x1xi32> to vector<16xi32>
          %gather3A_252 = tpu.dynamic_gather %get3A_23[%gather3A_251] in [0] : vector<16xf32>, vector<16xi32> -> vector<16xf32>
          %swap3A_253 = arith.constant 7 : i32
          %swap3A_254 = arith.index_cast %swap3A_253 : i32 to index
          %swap3A_255 = arith.index_cast %mul3A_205 : i32 to index
          %swap3A_256 = tpu.vector_load %arg8[%swap3A_254, %swap3A_255] {strides = array<i32>} : memref<16x3200xf32, #tpu.memory_space<vmem>>, vector<16xf32>,
          tpu.vector_store %arg8[%swap3A_254, %swap3A_255], %gather3A_252 {strides = array<i32>} : memref<16x3200xf32, #tpu.memory_space<vmem>>, vector<16xf32>,
          %gather3A_257 = vector.shape_cast %broadcast_in_dim3A_208 : vector<16x1xi32> to vector<16xi32>
          %gather3A_258 = tpu.dynamic_gather %get3A_25[%gather3A_257] in [0] : vector<16xf32>, vector<16xi32> -> vector<16xf32>
          %swap3A_259 = arith.constant 8 : i32
          %swap3A_260 = arith.index_cast %swap3A_259 : i32 to index
          %swap3A_261 = arith.index_cast %mul3A_205 : i32 to index
          %swap3A_262 = tpu.vector_load %arg8[%swap3A_260, %swap3A_261] {strides = array<i32>} : memref<16x3200xf32, #tpu.memory_space<vmem>>, vector<16xf32>,
          tpu.vector_store %arg8[%swap3A_260, %swap3A_261], %gather3A_258 {strides = array<i32>} : memref<16x3200xf32, #tpu.memory_space<vmem>>, vector<16xf32>,
          %gather3A_263 = vector.shape_cast %broadcast_in_dim3A_208 : vector<16x1xi32> to vector<16xi32>
          %gather3A_264 = tpu.dynamic_gather %get3A_27[%gather3A_263] in [0] : vector<16xf32>, vector<16xi32> -> vector<16xf32>
          %swap3A_265 = arith.constant 9 : i32
          %swap3A_266 = arith.index_cast %swap3A_265 : i32 to index
          %swap3A_267 = arith.index_cast %mul3A_205 : i32 to index
          %swap3A_268 = tpu.vector_load %arg8[%swap3A_266, %swap3A_267] {strides = array<i32>} : memref<16x3200xf32, #tpu.memory_space<vmem>>, vector<16xf32>,
          tpu.vector_store %arg8[%swap3A_266, %swap3A_267], %gather3A_264 {strides = array<i32>} : memref<16x3200xf32, #tpu.memory_space<vmem>>, vector<16xf32>,
          %gather3A_269 = vector.shape_cast %broadcast_in_dim3A_208 : vector<16x1xi32> to vector<16xi32>
          %gather3A_270 = tpu.dynamic_gather %get3A_29[%gather3A_269] in [0] : vector<16xf32>, vector<16xi32> -> vector<16xf32>
          %swap3A_271 = arith.constant 10 : i32
          %swap3A_272 = arith.index_cast %swap3A_271 : i32 to index
          %swap3A_273 = arith.index_cast %mul3A_205 : i32 to index
          %swap3A_274 = tpu.vector_load %arg8[%swap3A_272, %swap3A_273] {strides = array<i32>} : memref<16x3200xf32, #tpu.memory_space<vmem>>, vector<16xf32>,
          tpu.vector_store %arg8[%swap3A_272, %swap3A_273], %gather3A_270 {strides = array<i32>} : memref<16x3200xf32, #tpu.memory_space<vmem>>, vector<16xf32>,
          %gather3A_275 = vector.shape_cast %broadcast_in_dim3A_208 : vector<16x1xi32> to vector<16xi32>
          %gather3A_276 = tpu.dynamic_gather %get3A_31[%gather3A_275] in [0] : vector<16xf32>, vector<16xi32> -> vector<16xf32>
          %swap3A_277 = arith.constant 11 : i32
          %swap3A_278 = arith.index_cast %swap3A_277 : i32 to index
          %swap3A_279 = arith.index_cast %mul3A_205 : i32 to index
          %swap3A_280 = tpu.vector_load %arg8[%swap3A_278, %swap3A_279] {strides = array<i32>} : memref<16x3200xf32, #tpu.memory_space<vmem>>, vector<16xf32>,
          tpu.vector_store %arg8[%swap3A_278, %swap3A_279], %gather3A_276 {strides = array<i32>} : memref<16x3200xf32, #tpu.memory_space<vmem>>, vector<16xf32>,
          %gather3A_281 = vector.shape_cast %broadcast_in_dim3A_208 : vector<16x1xi32> to vector<16xi32>
          %gather3A_282 = tpu.dynamic_gather %get3A_33[%gather3A_281] in [0] : vector<16xf32>, vector<16xi32> -> vector<16xf32>
          %swap3A_283 = arith.constant 12 : i32
          %swap3A_284 = arith.index_cast %swap3A_283 : i32 to index
          %swap3A_285 = arith.index_cast %mul3A_205 : i32 to index
          %swap3A_286 = tpu.vector_load %arg8[%swap3A_284, %swap3A_285] {strides = array<i32>} : memref<16x3200xf32, #tpu.memory_space<vmem>>, vector<16xf32>,
          tpu.vector_store %arg8[%swap3A_284, %swap3A_285], %gather3A_282 {strides = array<i32>} : memref<16x3200xf32, #tpu.memory_space<vmem>>, vector<16xf32>,
          %gather3A_287 = vector.shape_cast %broadcast_in_dim3A_208 : vector<16x1xi32> to vector<16xi32>
          %gather3A_288 = tpu.dynamic_gather %get3A_35[%gather3A_287] in [0] : vector<16xf32>, vector<16xi32> -> vector<16xf32>
          %swap3A_289 = arith.constant 13 : i32
          %swap3A_290 = arith.index_cast %swap3A_289 : i32 to index
          %swap3A_291 = arith.index_cast %mul3A_205 : i32 to index
          %swap3A_292 = tpu.vector_load %arg8[%swap3A_290, %swap3A_291] {strides = array<i32>} : memref<16x3200xf32, #tpu.memory_space<vmem>>, vector<16xf32>,
          tpu.vector_store %arg8[%swap3A_290, %swap3A_291], %gather3A_288 {strides = array<i32>} : memref<16x3200xf32, #tpu.memory_space<vmem>>, vector<16xf32>,
          %gather3A_293 = vector.shape_cast %broadcast_in_dim3A_208 : vector<16x1xi32> to vector<16xi32>
          %gather3A_294 = tpu.dynamic_gather %get3A_37[%gather3A_293] in [0] : vector<16xf32>, vector<16xi32> -> vector<16xf32>
          %swap3A_295 = arith.constant 14 : i32
          %swap3A_296 = arith.index_cast %swap3A_295 : i32 to index
          %swap3A_297 = arith.index_cast %mul3A_205 : i32 to index
          %swap3A_298 = tpu.vector_load %arg8[%swap3A_296, %swap3A_297] {strides = array<i32>} : memref<16x3200xf32, #tpu.memory_space<vmem>>, vector<16xf32>,
          tpu.vector_store %arg8[%swap3A_296, %swap3A_297], %gather3A_294 {strides = array<i32>} : memref<16x3200xf32, #tpu.memory_space<vmem>>, vector<16xf32>,
          %gather3A_299 = vector.shape_cast %broadcast_in_dim3A_208 : vector<16x1xi32> to vector<16xi32>
          %gather3A_300 = tpu.dynamic_gather %get3A_39[%gather3A_299] in [0] : vector<16xf32>, vector<16xi32> -> vector<16xf32>
          %swap3A_301 = arith.constant 15 : i32
          %swap3A_302 = arith.index_cast %swap3A_301 : i32 to index
          %swap3A_303 = arith.index_cast %mul3A_205 : i32 to index
          %swap3A_304 = tpu.vector_load %arg8[%swap3A_302, %swap3A_303] {strides = array<i32>} : memref<16x3200xf32, #tpu.memory_space<vmem>>, vector<16xf32>,
          tpu.vector_store %arg8[%swap3A_302, %swap3A_303], %gather3A_300 {strides = array<i32>} : memref<16x3200xf32, #tpu.memory_space<vmem>>, vector<16xf32>,
          %scan3A_305 = arith.constant 2 : i32
          %scan3A_306 = arith.addi %scan3A_103, %scan3A_305 : i32
          %mul3A_307 = arith.constant 16 : i32
          %mul3A_308 = arith.muli %scan3A_306, %mul3A_307 : i32
          %get3A_309 = arith.index_cast %mul3A_308 : i32 to index
          %get3A_310 = tpu.vector_load %arg6[%get3A_309] {strides = array<i32>} : memref<3200xi32, #tpu.memory_space<vmem>>, vector<16xi32>,
          %broadcast_in_dim3A_311 = vector.shape_cast %get3A_310 : vector<16xi32> to vector<16x1xi32>
          %gather3A_312 = vector.shape_cast %broadcast_in_dim3A_311 : vector<16x1xi32> to vector<16xi32>
          %gather3A_313 = tpu.dynamic_gather %get3A_9[%gather3A_312] in [0] : vector<16xf32>, vector<16xi32> -> vector<16xf32>
          %swap3A_314 = arith.constant 0 : i32
          %swap3A_315 = arith.index_cast %swap3A_314 : i32 to index
          %swap3A_316 = arith.index_cast %mul3A_308 : i32 to index
          %swap3A_317 = tpu.vector_load %arg8[%swap3A_315, %swap3A_316] {strides = array<i32>} : memref<16x3200xf32, #tpu.memory_space<vmem>>, vector<16xf32>,
          tpu.vector_store %arg8[%swap3A_315, %swap3A_316], %gather3A_313 {strides = array<i32>} : memref<16x3200xf32, #tpu.memory_space<vmem>>, vector<16xf32>,
          %gather3A_318 = vector.shape_cast %broadcast_in_dim3A_311 : vector<16x1xi32> to vector<16xi32>
          %gather3A_319 = tpu.dynamic_gather %get3A_11[%gather3A_318] in [0] : vector<16xf32>, vector<16xi32> -> vector<16xf32>
          %swap3A_320 = arith.constant 1 : i32
          %swap3A_321 = arith.index_cast %swap3A_320 : i32 to index
          %swap3A_322 = arith.index_cast %mul3A_308 : i32 to index
          %swap3A_323 = tpu.vector_load %arg8[%swap3A_321, %swap3A_322] {strides = array<i32>} : memref<16x3200xf32, #tpu.memory_space<vmem>>, vector<16xf32>,
          tpu.vector_store %arg8[%swap3A_321, %swap3A_322], %gather3A_319 {strides = array<i32>} : memref<16x3200xf32, #tpu.memory_space<vmem>>, vector<16xf32>,
          %gather3A_324 = vector.shape_cast %broadcast_in_dim3A_311 : vector<16x1xi32> to vector<16xi32>
          %gather3A_325 = tpu.dynamic_gather %get3A_13[%gather3A_324] in [0] : vector<16xf32>, vector<16xi32> -> vector<16xf32>
          %swap3A_326 = arith.constant 2 : i32
          %swap3A_327 = arith.index_cast %swap3A_326 : i32 to index
          %swap3A_328 = arith.index_cast %mul3A_308 : i32 to index
          %swap3A_329 = tpu.vector_load %arg8[%swap3A_327, %swap3A_328] {strides = array<i32>} : memref<16x3200xf32, #tpu.memory_space<vmem>>, vector<16xf32>,
          tpu.vector_store %arg8[%swap3A_327, %swap3A_328], %gather3A_325 {strides = array<i32>} : memref<16x3200xf32, #tpu.memory_space<vmem>>, vector<16xf32>,
          %gather3A_330 = vector.shape_cast %broadcast_in_dim3A_311 : vector<16x1xi32> to vector<16xi32>
          %gather3A_331 = tpu.dynamic_gather %get3A_15[%gather3A_330] in [0] : vector<16xf32>, vector<16xi32> -> vector<16xf32>
          %swap3A_332 = arith.constant 3 : i32
          %swap3A_333 = arith.index_cast %swap3A_332 : i32 to index
          %swap3A_334 = arith.index_cast %mul3A_308 : i32 to index
          %swap3A_335 = tpu.vector_load %arg8[%swap3A_333, %swap3A_334] {strides = array<i32>} : memref<16x3200xf32, #tpu.memory_space<vmem>>, vector<16xf32>,
          tpu.vector_store %arg8[%swap3A_333, %swap3A_334], %gather3A_331 {strides = array<i32>} : memref<16x3200xf32, #tpu.memory_space<vmem>>, vector<16xf32>,
          %gather3A_336 = vector.shape_cast %broadcast_in_dim3A_311 : vector<16x1xi32> to vector<16xi32>
          %gather3A_337 = tpu.dynamic_gather %get3A_17[%gather3A_336] in [0] : vector<16xf32>, vector<16xi32> -> vector<16xf32>
          %swap3A_338 = arith.constant 4 : i32
          %swap3A_339 = arith.index_cast %swap3A_338 : i32 to index
          %swap3A_340 = arith.index_cast %mul3A_308 : i32 to index
          %swap3A_341 = tpu.vector_load %arg8[%swap3A_339, %swap3A_340] {strides = array<i32>} : memref<16x3200xf32, #tpu.memory_space<vmem>>, vector<16xf32>,
          tpu.vector_store %arg8[%swap3A_339, %swap3A_340], %gather3A_337 {strides = array<i32>} : memref<16x3200xf32, #tpu.memory_space<vmem>>, vector<16xf32>,
          %gather3A_342 = vector.shape_cast %broadcast_in_dim3A_311 : vector<16x1xi32> to vector<16xi32>
          %gather3A_343 = tpu.dynamic_gather %get3A_19[%gather3A_342] in [0] : vector<16xf32>, vector<16xi32> -> vector<16xf32>
          %swap3A_344 = arith.constant 5 : i32
          %swap3A_345 = arith.index_cast %swap3A_344 : i32 to index
          %swap3A_346 = arith.index_cast %mul3A_308 : i32 to index
          %swap3A_347 = tpu.vector_load %arg8[%swap3A_345, %swap3A_346] {strides = array<i32>} : memref<16x3200xf32, #tpu.memory_space<vmem>>, vector<16xf32>,
          tpu.vector_store %arg8[%swap3A_345, %swap3A_346], %gather3A_343 {strides = array<i32>} : memref<16x3200xf32, #tpu.memory_space<vmem>>, vector<16xf32>,
          %gather3A_348 = vector.shape_cast %broadcast_in_dim3A_311 : vector<16x1xi32> to vector<16xi32>
          %gather3A_349 = tpu.dynamic_gather %get3A_21[%gather3A_348] in [0] : vector<16xf32>, vector<16xi32> -> vector<16xf32>
          %swap3A_350 = arith.constant 6 : i32
          %swap3A_351 = arith.index_cast %swap3A_350 : i32 to index
          %swap3A_352 = arith.index_cast %mul3A_308 : i32 to index
          %swap3A_353 = tpu.vector_load %arg8[%swap3A_351, %swap3A_352] {strides = array<i32>} : memref<16x3200xf32, #tpu.memory_space<vmem>>, vector<16xf32>,
          tpu.vector_store %arg8[%swap3A_351, %swap3A_352], %gather3A_349 {strides = array<i32>} : memref<16x3200xf32, #tpu.memory_space<vmem>>, vector<16xf32>,
          %gather3A_354 = vector.shape_cast %broadcast_in_dim3A_311 : vector<16x1xi32> to vector<16xi32>
          %gather3A_355 = tpu.dynamic_gather %get3A_23[%gather3A_354] in [0] : vector<16xf32>, vector<16xi32> -> vector<16xf32>
          %swap3A_356 = arith.constant 7 : i32
          %swap3A_357 = arith.index_cast %swap3A_356 : i32 to index
          %swap3A_358 = arith.index_cast %mul3A_308 : i32 to index
          %swap3A_359 = tpu.vector_load %arg8[%swap3A_357, %swap3A_358] {strides = array<i32>} : memref<16x3200xf32, #tpu.memory_space<vmem>>, vector<16xf32>,
          tpu.vector_store %arg8[%swap3A_357, %swap3A_358], %gather3A_355 {strides = array<i32>} : memref<16x3200xf32, #tpu.memory_space<vmem>>, vector<16xf32>,
          %gather3A_360 = vector.shape_cast %broadcast_in_dim3A_311 : vector<16x1xi32> to vector<16xi32>
          %gather3A_361 = tpu.dynamic_gather %get3A_25[%gather3A_360] in [0] : vector<16xf32>, vector<16xi32> -> vector<16xf32>
          %swap3A_362 = arith.constant 8 : i32
          %swap3A_363 = arith.index_cast %swap3A_362 : i32 to index
          %swap3A_364 = arith.index_cast %mul3A_308 : i32 to index
          %swap3A_365 = tpu.vector_load %arg8[%swap3A_363, %swap3A_364] {strides = array<i32>} : memref<16x3200xf32, #tpu.memory_space<vmem>>, vector<16xf32>,
          tpu.vector_store %arg8[%swap3A_363, %swap3A_364], %gather3A_361 {strides = array<i32>} : memref<16x3200xf32, #tpu.memory_space<vmem>>, vector<16xf32>,
          %gather3A_366 = vector.shape_cast %broadcast_in_dim3A_311 : vector<16x1xi32> to vector<16xi32>
          %gather3A_367 = tpu.dynamic_gather %get3A_27[%gather3A_366] in [0] : vector<16xf32>, vector<16xi32> -> vector<16xf32>
          %swap3A_368 = arith.constant 9 : i32
          %swap3A_369 = arith.index_cast %swap3A_368 : i32 to index
          %swap3A_370 = arith.index_cast %mul3A_308 : i32 to index
          %swap3A_371 = tpu.vector_load %arg8[%swap3A_369, %swap3A_370] {strides = array<i32>} : memref<16x3200xf32, #tpu.memory_space<vmem>>, vector<16xf32>,
          tpu.vector_store %arg8[%swap3A_369, %swap3A_370], %gather3A_367 {strides = array<i32>} : memref<16x3200xf32, #tpu.memory_space<vmem>>, vector<16xf32>,
          %gather3A_372 = vector.shape_cast %broadcast_in_dim3A_311 : vector<16x1xi32> to vector<16xi32>
          %gather3A_373 = tpu.dynamic_gather %get3A_29[%gather3A_372] in [0] : vector<16xf32>, vector<16xi32> -> vector<16xf32>
          %swap3A_374 = arith.constant 10 : i32
          %swap3A_375 = arith.index_cast %swap3A_374 : i32 to index
          %swap3A_376 = arith.index_cast %mul3A_308 : i32 to index
          %swap3A_377 = tpu.vector_load %arg8[%swap3A_375, %swap3A_376] {strides = array<i32>} : memref<16x3200xf32, #tpu.memory_space<vmem>>, vector<16xf32>,
          tpu.vector_store %arg8[%swap3A_375, %swap3A_376], %gather3A_373 {strides = array<i32>} : memref<16x3200xf32, #tpu.memory_space<vmem>>, vector<16xf32>,
          %gather3A_378 = vector.shape_cast %broadcast_in_dim3A_311 : vector<16x1xi32> to vector<16xi32>
          %gather3A_379 = tpu.dynamic_gather %get3A_31[%gather3A_378] in [0] : vector<16xf32>, vector<16xi32> -> vector<16xf32>
          %swap3A_380 = arith.constant 11 : i32
          %swap3A_381 = arith.index_cast %swap3A_380 : i32 to index
          %swap3A_382 = arith.index_cast %mul3A_308 : i32 to index
          %swap3A_383 = tpu.vector_load %arg8[%swap3A_381, %swap3A_382] {strides = array<i32>} : memref<16x3200xf32, #tpu.memory_space<vmem>>, vector<16xf32>,
          tpu.vector_store %arg8[%swap3A_381, %swap3A_382], %gather3A_379 {strides = array<i32>} : memref<16x3200xf32, #tpu.memory_space<vmem>>, vector<16xf32>,
          %gather3A_384 = vector.shape_cast %broadcast_in_dim3A_311 : vector<16x1xi32> to vector<16xi32>
          %gather3A_385 = tpu.dynamic_gather %get3A_33[%gather3A_384] in [0] : vector<16xf32>, vector<16xi32> -> vector<16xf32>
          %swap3A_386 = arith.constant 12 : i32
          %swap3A_387 = arith.index_cast %swap3A_386 : i32 to index
          %swap3A_388 = arith.index_cast %mul3A_308 : i32 to index
          %swap3A_389 = tpu.vector_load %arg8[%swap3A_387, %swap3A_388] {strides = array<i32>} : memref<16x3200xf32, #tpu.memory_space<vmem>>, vector<16xf32>,
          tpu.vector_store %arg8[%swap3A_387, %swap3A_388], %gather3A_385 {strides = array<i32>} : memref<16x3200xf32, #tpu.memory_space<vmem>>, vector<16xf32>,
          %gather3A_390 = vector.shape_cast %broadcast_in_dim3A_311 : vector<16x1xi32> to vector<16xi32>
          %gather3A_391 = tpu.dynamic_gather %get3A_35[%gather3A_390] in [0] : vector<16xf32>, vector<16xi32> -> vector<16xf32>
          %swap3A_392 = arith.constant 13 : i32
          %swap3A_393 = arith.index_cast %swap3A_392 : i32 to index
          %swap3A_394 = arith.index_cast %mul3A_308 : i32 to index
          %swap3A_395 = tpu.vector_load %arg8[%swap3A_393, %swap3A_394] {strides = array<i32>} : memref<16x3200xf32, #tpu.memory_space<vmem>>, vector<16xf32>,
          tpu.vector_store %arg8[%swap3A_393, %swap3A_394], %gather3A_391 {strides = array<i32>} : memref<16x3200xf32, #tpu.memory_space<vmem>>, vector<16xf32>,
          %gather3A_396 = vector.shape_cast %broadcast_in_dim3A_311 : vector<16x1xi32> to vector<16xi32>
          %gather3A_397 = tpu.dynamic_gather %get3A_37[%gather3A_396] in [0] : vector<16xf32>, vector<16xi32> -> vector<16xf32>
          %swap3A_398 = arith.constant 14 : i32
          %swap3A_399 = arith.index_cast %swap3A_398 : i32 to index
          %swap3A_400 = arith.index_cast %mul3A_308 : i32 to index
          %swap3A_401 = tpu.vector_load %arg8[%swap3A_399, %swap3A_400] {strides = array<i32>} : memref<16x3200xf32, #tpu.memory_space<vmem>>, vector<16xf32>,
          tpu.vector_store %arg8[%swap3A_399, %swap3A_400], %gather3A_397 {strides = array<i32>} : memref<16x3200xf32, #tpu.memory_space<vmem>>, vector<16xf32>,
          %gather3A_402 = vector.shape_cast %broadcast_in_dim3A_311 : vector<16x1xi32> to vector<16xi32>
          %gather3A_403 = tpu.dynamic_gather %get3A_39[%gather3A_402] in [0] : vector<16xf32>, vector<16xi32> -> vector<16xf32>
          %swap3A_404 = arith.constant 15 : i32
          %swap3A_405 = arith.index_cast %swap3A_404 : i32 to index
          %swap3A_406 = arith.index_cast %mul3A_308 : i32 to index
          %swap3A_407 = tpu.vector_load %arg8[%swap3A_405, %swap3A_406] {strides = array<i32>} : memref<16x3200xf32, #tpu.memory_space<vmem>>, vector<16xf32>,
          tpu.vector_store %arg8[%swap3A_405, %swap3A_406], %gather3A_403 {strides = array<i32>} : memref<16x3200xf32, #tpu.memory_space<vmem>>, vector<16xf32>,
          %scan3A_408 = arith.constant 3 : i32
          %scan3A_409 = arith.addi %scan3A_103, %scan3A_408 : i32
          %mul3A_410 = arith.constant 16 : i32
          %mul3A_411 = arith.muli %scan3A_409, %mul3A_410 : i32
          %get3A_412 = arith.index_cast %mul3A_411 : i32 to index
          %get3A_413 = tpu.vector_load %arg6[%get3A_412] {strides = array<i32>} : memref<3200xi32, #tpu.memory_space<vmem>>, vector<16xi32>,
          %broadcast_in_dim3A_414 = vector.shape_cast %get3A_413 : vector<16xi32> to vector<16x1xi32>
          %gather3A_415 = vector.shape_cast %broadcast_in_dim3A_414 : vector<16x1xi32> to vector<16xi32>
          %gather3A_416 = tpu.dynamic_gather %get3A_9[%gather3A_415] in [0] : vector<16xf32>, vector<16xi32> -> vector<16xf32>
          %swap3A_417 = arith.constant 0 : i32
          %swap3A_418 = arith.index_cast %swap3A_417 : i32 to index
          %swap3A_419 = arith.index_cast %mul3A_411 : i32 to index
          %swap3A_420 = tpu.vector_load %arg8[%swap3A_418, %swap3A_419] {strides = array<i32>} : memref<16x3200xf32, #tpu.memory_space<vmem>>, vector<16xf32>,
          tpu.vector_store %arg8[%swap3A_418, %swap3A_419], %gather3A_416 {strides = array<i32>} : memref<16x3200xf32, #tpu.memory_space<vmem>>, vector<16xf32>,
          %gather3A_421 = vector.shape_cast %broadcast_in_dim3A_414 : vector<16x1xi32> to vector<16xi32>
          %gather3A_422 = tpu.dynamic_gather %get3A_11[%gather3A_421] in [0] : vector<16xf32>, vector<16xi32> -> vector<16xf32>
          %swap3A_423 = arith.constant 1 : i32
          %swap3A_424 = arith.index_cast %swap3A_423 : i32 to index
          %swap3A_425 = arith.index_cast %mul3A_411 : i32 to index
          %swap3A_426 = tpu.vector_load %arg8[%swap3A_424, %swap3A_425] {strides = array<i32>} : memref<16x3200xf32, #tpu.memory_space<vmem>>, vector<16xf32>,
          tpu.vector_store %arg8[%swap3A_424, %swap3A_425], %gather3A_422 {strides = array<i32>} : memref<16x3200xf32, #tpu.memory_space<vmem>>, vector<16xf32>,
          %gather3A_427 = vector.shape_cast %broadcast_in_dim3A_414 : vector<16x1xi32> to vector<16xi32>
          %gather3A_428 = tpu.dynamic_gather %get3A_13[%gather3A_427] in [0] : vector<16xf32>, vector<16xi32> -> vector<16xf32>
          %swap3A_429 = arith.constant 2 : i32
          %swap3A_430 = arith.index_cast %swap3A_429 : i32 to index
          %swap3A_431 = arith.index_cast %mul3A_411 : i32 to index
          %swap3A_432 = tpu.vector_load %arg8[%swap3A_430, %swap3A_431] {strides = array<i32>} : memref<16x3200xf32, #tpu.memory_space<vmem>>, vector<16xf32>,
          tpu.vector_store %arg8[%swap3A_430, %swap3A_431], %gather3A_428 {strides = array<i32>} : memref<16x3200xf32, #tpu.memory_space<vmem>>, vector<16xf32>,
          %gather3A_433 = vector.shape_cast %broadcast_in_dim3A_414 : vector<16x1xi32> to vector<16xi32>
          %gather3A_434 = tpu.dynamic_gather %get3A_15[%gather3A_433] in [0] : vector<16xf32>, vector<16xi32> -> vector<16xf32>
          %swap3A_435 = arith.constant 3 : i32
          %swap3A_436 = arith.index_cast %swap3A_435 : i32 to index
          %swap3A_437 = arith.index_cast %mul3A_411 : i32 to index
          %swap3A_438 = tpu.vector_load %arg8[%swap3A_436, %swap3A_437] {strides = array<i32>} : memref<16x3200xf32, #tpu.memory_space<vmem>>, vector<16xf32>,
          tpu.vector_store %arg8[%swap3A_436, %swap3A_437], %gather3A_434 {strides = array<i32>} : memref<16x3200xf32, #tpu.memory_space<vmem>>, vector<16xf32>,
          %gather3A_439 = vector.shape_cast %broadcast_in_dim3A_414 : vector<16x1xi32> to vector<16xi32>
          %gather3A_440 = tpu.dynamic_gather %get3A_17[%gather3A_439] in [0] : vector<16xf32>, vector<16xi32> -> vector<16xf32>
          %swap3A_441 = arith.constant 4 : i32
          %swap3A_442 = arith.index_cast %swap3A_441 : i32 to index
          %swap3A_443 = arith.index_cast %mul3A_411 : i32 to index
          %swap3A_444 = tpu.vector_load %arg8[%swap3A_442, %swap3A_443] {strides = array<i32>} : memref<16x3200xf32, #tpu.memory_space<vmem>>, vector<16xf32>,
          tpu.vector_store %arg8[%swap3A_442, %swap3A_443], %gather3A_440 {strides = array<i32>} : memref<16x3200xf32, #tpu.memory_space<vmem>>, vector<16xf32>,
          %gather3A_445 = vector.shape_cast %broadcast_in_dim3A_414 : vector<16x1xi32> to vector<16xi32>
          %gather3A_446 = tpu.dynamic_gather %get3A_19[%gather3A_445] in [0] : vector<16xf32>, vector<16xi32> -> vector<16xf32>
          %swap3A_447 = arith.constant 5 : i32
          %swap3A_448 = arith.index_cast %swap3A_447 : i32 to index
          %swap3A_449 = arith.index_cast %mul3A_411 : i32 to index
          %swap3A_450 = tpu.vector_load %arg8[%swap3A_448, %swap3A_449] {strides = array<i32>} : memref<16x3200xf32, #tpu.memory_space<vmem>>, vector<16xf32>,
          tpu.vector_store %arg8[%swap3A_448, %swap3A_449], %gather3A_446 {strides = array<i32>} : memref<16x3200xf32, #tpu.memory_space<vmem>>, vector<16xf32>,
          %gather3A_451 = vector.shape_cast %broadcast_in_dim3A_414 : vector<16x1xi32> to vector<16xi32>
          %gather3A_452 = tpu.dynamic_gather %get3A_21[%gather3A_451] in [0] : vector<16xf32>, vector<16xi32> -> vector<16xf32>
          %swap3A_453 = arith.constant 6 : i32
          %swap3A_454 = arith.index_cast %swap3A_453 : i32 to index
          %swap3A_455 = arith.index_cast %mul3A_411 : i32 to index
          %swap3A_456 = tpu.vector_load %arg8[%swap3A_454, %swap3A_455] {strides = array<i32>} : memref<16x3200xf32, #tpu.memory_space<vmem>>, vector<16xf32>,
          tpu.vector_store %arg8[%swap3A_454, %swap3A_455], %gather3A_452 {strides = array<i32>} : memref<16x3200xf32, #tpu.memory_space<vmem>>, vector<16xf32>,
          %gather3A_457 = vector.shape_cast %broadcast_in_dim3A_414 : vector<16x1xi32> to vector<16xi32>
          %gather3A_458 = tpu.dynamic_gather %get3A_23[%gather3A_457] in [0] : vector<16xf32>, vector<16xi32> -> vector<16xf32>
          %swap3A_459 = arith.constant 7 : i32
          %swap3A_460 = arith.index_cast %swap3A_459 : i32 to index
          %swap3A_461 = arith.index_cast %mul3A_411 : i32 to index
          %swap3A_462 = tpu.vector_load %arg8[%swap3A_460, %swap3A_461] {strides = array<i32>} : memref<16x3200xf32, #tpu.memory_space<vmem>>, vector<16xf32>,
          tpu.vector_store %arg8[%swap3A_460, %swap3A_461], %gather3A_458 {strides = array<i32>} : memref<16x3200xf32, #tpu.memory_space<vmem>>, vector<16xf32>,
          %gather3A_463 = vector.shape_cast %broadcast_in_dim3A_414 : vector<16x1xi32> to vector<16xi32>
          %gather3A_464 = tpu.dynamic_gather %get3A_25[%gather3A_463] in [0] : vector<16xf32>, vector<16xi32> -> vector<16xf32>
          %swap3A_465 = arith.constant 8 : i32
          %swap3A_466 = arith.index_cast %swap3A_465 : i32 to index
          %swap3A_467 = arith.index_cast %mul3A_411 : i32 to index
          %swap3A_468 = tpu.vector_load %arg8[%swap3A_466, %swap3A_467] {strides = array<i32>} : memref<16x3200xf32, #tpu.memory_space<vmem>>, vector<16xf32>,
          tpu.vector_store %arg8[%swap3A_466, %swap3A_467], %gather3A_464 {strides = array<i32>} : memref<16x3200xf32, #tpu.memory_space<vmem>>, vector<16xf32>,
          %gather3A_469 = vector.shape_cast %broadcast_in_dim3A_414 : vector<16x1xi32> to vector<16xi32>
          %gather3A_470 = tpu.dynamic_gather %get3A_27[%gather3A_469] in [0] : vector<16xf32>, vector<16xi32> -> vector<16xf32>
          %swap3A_471 = arith.constant 9 : i32
          %swap3A_472 = arith.index_cast %swap3A_471 : i32 to index
          %swap3A_473 = arith.index_cast %mul3A_411 : i32 to index
          %swap3A_474 = tpu.vector_load %arg8[%swap3A_472, %swap3A_473] {strides = array<i32>} : memref<16x3200xf32, #tpu.memory_space<vmem>>, vector<16xf32>,
          tpu.vector_store %arg8[%swap3A_472, %swap3A_473], %gather3A_470 {strides = array<i32>} : memref<16x3200xf32, #tpu.memory_space<vmem>>, vector<16xf32>,
          %gather3A_475 = vector.shape_cast %broadcast_in_dim3A_414 : vector<16x1xi32> to vector<16xi32>
          %gather3A_476 = tpu.dynamic_gather %get3A_29[%gather3A_475] in [0] : vector<16xf32>, vector<16xi32> -> vector<16xf32>
          %swap3A_477 = arith.constant 10 : i32
          %swap3A_478 = arith.index_cast %swap3A_477 : i32 to index
          %swap3A_479 = arith.index_cast %mul3A_411 : i32 to index
          %swap3A_480 = tpu.vector_load %arg8[%swap3A_478, %swap3A_479] {strides = array<i32>} : memref<16x3200xf32, #tpu.memory_space<vmem>>, vector<16xf32>,
          tpu.vector_store %arg8[%swap3A_478, %swap3A_479], %gather3A_476 {strides = array<i32>} : memref<16x3200xf32, #tpu.memory_space<vmem>>, vector<16xf32>,
          %gather3A_481 = vector.shape_cast %broadcast_in_dim3A_414 : vector<16x1xi32> to vector<16xi32>
          %gather3A_482 = tpu.dynamic_gather %get3A_31[%gather3A_481] in [0] : vector<16xf32>, vector<16xi32> -> vector<16xf32>
          %swap3A_483 = arith.constant 11 : i32
          %swap3A_484 = arith.index_cast %swap3A_483 : i32 to index
          %swap3A_485 = arith.index_cast %mul3A_411 : i32 to index
          %swap3A_486 = tpu.vector_load %arg8[%swap3A_484, %swap3A_485] {strides = array<i32>} : memref<16x3200xf32, #tpu.memory_space<vmem>>, vector<16xf32>,
          tpu.vector_store %arg8[%swap3A_484, %swap3A_485], %gather3A_482 {strides = array<i32>} : memref<16x3200xf32, #tpu.memory_space<vmem>>, vector<16xf32>,
          %gather3A_487 = vector.shape_cast %broadcast_in_dim3A_414 : vector<16x1xi32> to vector<16xi32>
          %gather3A_488 = tpu.dynamic_gather %get3A_33[%gather3A_487] in [0] : vector<16xf32>, vector<16xi32> -> vector<16xf32>
          %swap3A_489 = arith.constant 12 : i32
          %swap3A_490 = arith.index_cast %swap3A_489 : i32 to index
          %swap3A_491 = arith.index_cast %mul3A_411 : i32 to index
          %swap3A_492 = tpu.vector_load %arg8[%swap3A_490, %swap3A_491] {strides = array<i32>} : memref<16x3200xf32, #tpu.memory_space<vmem>>, vector<16xf32>,
          tpu.vector_store %arg8[%swap3A_490, %swap3A_491], %gather3A_488 {strides = array<i32>} : memref<16x3200xf32, #tpu.memory_space<vmem>>, vector<16xf32>,
          %gather3A_493 = vector.shape_cast %broadcast_in_dim3A_414 : vector<16x1xi32> to vector<16xi32>
          %gather3A_494 = tpu.dynamic_gather %get3A_35[%gather3A_493] in [0] : vector<16xf32>, vector<16xi32> -> vector<16xf32>
          %swap3A_495 = arith.constant 13 : i32
          %swap3A_496 = arith.index_cast %swap3A_495 : i32 to index
          %swap3A_497 = arith.index_cast %mul3A_411 : i32 to index
          %swap3A_498 = tpu.vector_load %arg8[%swap3A_496, %swap3A_497] {strides = array<i32>} : memref<16x3200xf32, #tpu.memory_space<vmem>>, vector<16xf32>,
          tpu.vector_store %arg8[%swap3A_496, %swap3A_497], %gather3A_494 {strides = array<i32>} : memref<16x3200xf32, #tpu.memory_space<vmem>>, vector<16xf32>,
          %gather3A_499 = vector.shape_cast %broadcast_in_dim3A_414 : vector<16x1xi32> to vector<16xi32>
          %gather3A_500 = tpu.dynamic_gather %get3A_37[%gather3A_499] in [0] : vector<16xf32>, vector<16xi32> -> vector<16xf32>
          %swap3A_501 = arith.constant 14 : i32
          %swap3A_502 = arith.index_cast %swap3A_501 : i32 to index
          %swap3A_503 = arith.index_cast %mul3A_411 : i32 to index
          %swap3A_504 = tpu.vector_load %arg8[%swap3A_502, %swap3A_503] {strides = array<i32>} : memref<16x3200xf32, #tpu.memory_space<vmem>>, vector<16xf32>,
          tpu.vector_store %arg8[%swap3A_502, %swap3A_503], %gather3A_500 {strides = array<i32>} : memref<16x3200xf32, #tpu.memory_space<vmem>>, vector<16xf32>,
          %gather3A_505 = vector.shape_cast %broadcast_in_dim3A_414 : vector<16x1xi32> to vector<16xi32>
          %gather3A_506 = tpu.dynamic_gather %get3A_39[%gather3A_505] in [0] : vector<16xf32>, vector<16xi32> -> vector<16xf32>
          %swap3A_507 = arith.constant 15 : i32
          %swap3A_508 = arith.index_cast %swap3A_507 : i32 to index
          %swap3A_509 = arith.index_cast %mul3A_411 : i32 to index
          %swap3A_510 = tpu.vector_load %arg8[%swap3A_508, %swap3A_509] {strides = array<i32>} : memref<16x3200xf32, #tpu.memory_space<vmem>>, vector<16xf32>,
          tpu.vector_store %arg8[%swap3A_508, %swap3A_509], %gather3A_506 {strides = array<i32>} : memref<16x3200xf32, #tpu.memory_space<vmem>>, vector<16xf32>,
        }
        %scan3A_98 = arith.constant 200 : i32
        %dma_start3A_99 = arith.constant 0 : i32
        %dma_start3A_100 = tpu.memref_slice %arg4[%dma_start3A_99, %mul3A_78] : memref<16x3200000xf32, #tpu.memory_space<hbm>> -> memref<16x3200xf32, #tpu.memory_space<hbm>>
        %dma_start3A_101 = arith.constant 0 : i32
        %dma_start3A_102 = tpu.memref_slice %arg4[%dma_start3A_101, %mul3A_78] : memref<16x3200000xf32, #tpu.memory_space<hbm>> -> memref<16x3200xf32, #tpu.memory_space<hbm>>
        tpu.enqueue_dma source(%arg8 : memref<16x3200xf32, #tpu.memory_space<vmem>>) target(%dma_start3A_102 : memref<16x3200xf32, #tpu.memory_space<hbm>>) target_semaphore(%arg11 : memref<!tpu.dma_semaphore, #tpu.memory_space<semaphore_mem>>)
      } else {
      }
      %mul3A_68 = arith.constant 2 : i32
      %mul3A_69 = arith.muli %scan3A_61, %mul3A_68 : i32
      %add3A_70 = arith.constant 1 : i32
      %add3A_71 = arith.addi %mul3A_69, %add3A_70 : i32
      %lt3A_72 = arith.cmpi slt, %add3A_71, %add3A_4 : i32
      %convert_element_type3A_73 = arith.extui %lt3A_72 : i1 to i32
      %cond3A_74 = arith.constant 0 : i32
      %cond3A_75 = arith.cmpi ne, %convert_element_type3A_73, %cond3A_74 : i32
      scf.if %cond3A_75 {
        %add3A_76 = arith.addi %add3A_8, %add3A_71 : i32
        %mul3A_77 = arith.constant 3200 : i32
        %mul3A_78 = arith.muli %add3A_76, %mul3A_77 : i32
        %dma_wait3A_79 = arith.constant 0 : i32
        %dma_wait3A_80 = tpu.memref_slice %arg3[%dma_wait3A_79, %mul3A_78] : memref<1x3200000xi32, #tpu.memory_space<hbm>> -> memref<1x3200xi32, #tpu.memory_space<hbm>>
        %dma_wait3A_81 = tpu.memref_squeeze %dma_wait3A_80 : memref<1x3200xi32, #tpu.memory_space<hbm>> -> memref<3200xi32, #tpu.memory_space<hbm>>
        %dma_wait3A_82 = tpu.memref_slice %arg3[%dma_wait3A_79, %mul3A_78] : memref<1x3200000xi32, #tpu.memory_space<hbm>> -> memref<1x3200xi32, #tpu.memory_space<hbm>>
        %dma_wait3A_83 = tpu.memref_squeeze %dma_wait3A_82 : memref<1x3200xi32, #tpu.memory_space<hbm>> -> memref<3200xi32, #tpu.memory_space<hbm>>
        tpu.wait_dma2 semaphore(%arg10 : memref<!tpu.dma_semaphore, #tpu.memory_space<semaphore_mem>>) src(%dma_wait3A_83 : memref<3200xi32, #tpu.memory_space<hbm>>) dst(%arg7 : memref<3200xi32, #tpu.memory_space<vmem>>)
        %add3A_84 = arith.constant 1 : i32
        %add3A_85 = arith.addi %add3A_71, %add3A_84 : i32
        %lt3A_86 = arith.cmpi slt, %add3A_85, %add3A_4 : i32
        %convert_element_type3A_87 = arith.extui %lt3A_86 : i1 to i32
        %cond3A_88 = arith.constant 0 : i32
        %cond3A_89 = arith.cmpi ne, %convert_element_type3A_87, %cond3A_88 : i32
        scf.if %cond3A_89 {
          %add3A_103 = arith.constant 3200 : i32
          %add3A_104 = arith.addi %mul3A_78, %add3A_103 : i32
          %dma_start3A_105 = arith.constant 0 : i32
          %dma_start3A_106 = tpu.memref_slice %arg3[%dma_start3A_105, %add3A_104] : memref<1x3200000xi32, #tpu.memory_space<hbm>> -> memref<1x3200xi32, #tpu.memory_space<hbm>>
          %dma_start3A_107 = tpu.memref_squeeze %dma_start3A_106 : memref<1x3200xi32, #tpu.memory_space<hbm>> -> memref<3200xi32, #tpu.memory_space<hbm>>
          %dma_start3A_108 = tpu.memref_slice %arg3[%dma_start3A_105, %add3A_104] : memref<1x3200000xi32, #tpu.memory_space<hbm>> -> memref<1x3200xi32, #tpu.memory_space<hbm>>
          %dma_start3A_109 = tpu.memref_squeeze %dma_start3A_108 : memref<1x3200xi32, #tpu.memory_space<hbm>> -> memref<3200xi32, #tpu.memory_space<hbm>>
          tpu.enqueue_dma source(%dma_start3A_109 : memref<3200xi32, #tpu.memory_space<hbm>>) target(%arg6 : memref<3200xi32, #tpu.memory_space<vmem>>) target_semaphore(%arg10 : memref<!tpu.dma_semaphore, #tpu.memory_space<semaphore_mem>>)
        } else {
        }
        %ge3A = arith.constant 2 : i32
        %ge3A_90 = arith.cmpi sge, %add3A_71, %ge3A : i32
        %convert_element_type3A_91 = arith.extui %ge3A_90 : i1 to i32
        %cond3A_92 = arith.constant 0 : i32
        %cond3A_93 = arith.cmpi ne, %convert_element_type3A_91, %cond3A_92 : i32
        scf.if %cond3A_93 {
          %dma_wait3A_103 = arith.constant 0 : i32
          %dma_wait3A_104 = tpu.memref_slice %arg4[%dma_wait3A_103, %mul3A_78] : memref<16x3200000xf32, #tpu.memory_space<hbm>> -> memref<16x3200xf32, #tpu.memory_space<hbm>>
          %dma_wait3A_105 = arith.constant 0 : i32
          %dma_wait3A_106 = tpu.memref_slice %arg4[%dma_wait3A_105, %mul3A_78] : memref<16x3200000xf32, #tpu.memory_space<hbm>> -> memref<16x3200xf32, #tpu.memory_space<hbm>>
          tpu.wait_dma2 semaphore(%arg12 : memref<!tpu.dma_semaphore, #tpu.memory_space<semaphore_mem>>) src(%arg9 : memref<16x3200xf32, #tpu.memory_space<vmem>>) dst(%dma_wait3A_106 : memref<16x3200xf32, #tpu.memory_space<hbm>>)
        } else {
        }
        %scan3A_94 = arith.constant 0 : i32
        %scan3A_95 = arith.constant 200 : i32
        %scan3A_96 = arith.addi %scan3A_94, %scan3A_95 : i32
        %scan3A_97 = arith.constant 4 : i32
        scf.for %scan3A_103 = %scan3A_94 to %scan3A_96 step %scan3A_97  : i32 {
          %mul3A_104 = arith.constant 16 : i32
          %mul3A_105 = arith.muli %scan3A_103, %mul3A_104 : i32
          %get3A_106 = arith.index_cast %mul3A_105 : i32 to index
          %get3A_107 = tpu.vector_load %arg7[%get3A_106] {strides = array<i32>} : memref<3200xi32, #tpu.memory_space<vmem>>, vector<16xi32>,
          %broadcast_in_dim3A = vector.shape_cast %get3A_107 : vector<16xi32> to vector<16x1xi32>
          %gather3A = vector.shape_cast %broadcast_in_dim3A : vector<16x1xi32> to vector<16xi32>
          %gather3A_108 = tpu.dynamic_gather %get3A_9[%gather3A] in [0] : vector<16xf32>, vector<16xi32> -> vector<16xf32>
          %swap3A = arith.constant 0 : i32
          %swap3A_109 = arith.index_cast %swap3A : i32 to index
          %swap3A_110 = arith.index_cast %mul3A_105 : i32 to index
          %swap3A_111 = tpu.vector_load %arg9[%swap3A_109, %swap3A_110] {strides = array<i32>} : memref<16x3200xf32, #tpu.memory_space<vmem>>, vector<16xf32>,
          tpu.vector_store %arg9[%swap3A_109, %swap3A_110], %gather3A_108 {strides = array<i32>} : memref<16x3200xf32, #tpu.memory_space<vmem>>, vector<16xf32>,
          %gather3A_112 = vector.shape_cast %broadcast_in_dim3A : vector<16x1xi32> to vector<16xi32>
          %gather3A_113 = tpu.dynamic_gather %get3A_11[%gather3A_112] in [0] : vector<16xf32>, vector<16xi32> -> vector<16xf32>
          %swap3A_114 = arith.constant 1 : i32
          %swap3A_115 = arith.index_cast %swap3A_114 : i32 to index
          %swap3A_116 = arith.index_cast %mul3A_105 : i32 to index
          %swap3A_117 = tpu.vector_load %arg9[%swap3A_115, %swap3A_116] {strides = array<i32>} : memref<16x3200xf32, #tpu.memory_space<vmem>>, vector<16xf32>,
          tpu.vector_store %arg9[%swap3A_115, %swap3A_116], %gather3A_113 {strides = array<i32>} : memref<16x3200xf32, #tpu.memory_space<vmem>>, vector<16xf32>,
          %gather3A_118 = vector.shape_cast %broadcast_in_dim3A : vector<16x1xi32> to vector<16xi32>
          %gather3A_119 = tpu.dynamic_gather %get3A_13[%gather3A_118] in [0] : vector<16xf32>, vector<16xi32> -> vector<16xf32>
          %swap3A_120 = arith.constant 2 : i32
          %swap3A_121 = arith.index_cast %swap3A_120 : i32 to index
          %swap3A_122 = arith.index_cast %mul3A_105 : i32 to index
          %swap3A_123 = tpu.vector_load %arg9[%swap3A_121, %swap3A_122] {strides = array<i32>} : memref<16x3200xf32, #tpu.memory_space<vmem>>, vector<16xf32>,
          tpu.vector_store %arg9[%swap3A_121, %swap3A_122], %gather3A_119 {strides = array<i32>} : memref<16x3200xf32, #tpu.memory_space<vmem>>, vector<16xf32>,
          %gather3A_124 = vector.shape_cast %broadcast_in_dim3A : vector<16x1xi32> to vector<16xi32>
          %gather3A_125 = tpu.dynamic_gather %get3A_15[%gather3A_124] in [0] : vector<16xf32>, vector<16xi32> -> vector<16xf32>
          %swap3A_126 = arith.constant 3 : i32
          %swap3A_127 = arith.index_cast %swap3A_126 : i32 to index
          %swap3A_128 = arith.index_cast %mul3A_105 : i32 to index
          %swap3A_129 = tpu.vector_load %arg9[%swap3A_127, %swap3A_128] {strides = array<i32>} : memref<16x3200xf32, #tpu.memory_space<vmem>>, vector<16xf32>,
          tpu.vector_store %arg9[%swap3A_127, %swap3A_128], %gather3A_125 {strides = array<i32>} : memref<16x3200xf32, #tpu.memory_space<vmem>>, vector<16xf32>,
          %gather3A_130 = vector.shape_cast %broadcast_in_dim3A : vector<16x1xi32> to vector<16xi32>
          %gather3A_131 = tpu.dynamic_gather %get3A_17[%gather3A_130] in [0] : vector<16xf32>, vector<16xi32> -> vector<16xf32>
          %swap3A_132 = arith.constant 4 : i32
          %swap3A_133 = arith.index_cast %swap3A_132 : i32 to index
          %swap3A_134 = arith.index_cast %mul3A_105 : i32 to index
          %swap3A_135 = tpu.vector_load %arg9[%swap3A_133, %swap3A_134] {strides = array<i32>} : memref<16x3200xf32, #tpu.memory_space<vmem>>, vector<16xf32>,
          tpu.vector_store %arg9[%swap3A_133, %swap3A_134], %gather3A_131 {strides = array<i32>} : memref<16x3200xf32, #tpu.memory_space<vmem>>, vector<16xf32>,
          %gather3A_136 = vector.shape_cast %broadcast_in_dim3A : vector<16x1xi32> to vector<16xi32>
          %gather3A_137 = tpu.dynamic_gather %get3A_19[%gather3A_136] in [0] : vector<16xf32>, vector<16xi32> -> vector<16xf32>
          %swap3A_138 = arith.constant 5 : i32
          %swap3A_139 = arith.index_cast %swap3A_138 : i32 to index
          %swap3A_140 = arith.index_cast %mul3A_105 : i32 to index
          %swap3A_141 = tpu.vector_load %arg9[%swap3A_139, %swap3A_140] {strides = array<i32>} : memref<16x3200xf32, #tpu.memory_space<vmem>>, vector<16xf32>,
          tpu.vector_store %arg9[%swap3A_139, %swap3A_140], %gather3A_137 {strides = array<i32>} : memref<16x3200xf32, #tpu.memory_space<vmem>>, vector<16xf32>,
          %gather3A_142 = vector.shape_cast %broadcast_in_dim3A : vector<16x1xi32> to vector<16xi32>
          %gather3A_143 = tpu.dynamic_gather %get3A_21[%gather3A_142] in [0] : vector<16xf32>, vector<16xi32> -> vector<16xf32>
          %swap3A_144 = arith.constant 6 : i32
          %swap3A_145 = arith.index_cast %swap3A_144 : i32 to index
          %swap3A_146 = arith.index_cast %mul3A_105 : i32 to index
          %swap3A_147 = tpu.vector_load %arg9[%swap3A_145, %swap3A_146] {strides = array<i32>} : memref<16x3200xf32, #tpu.memory_space<vmem>>, vector<16xf32>,
          tpu.vector_store %arg9[%swap3A_145, %swap3A_146], %gather3A_143 {strides = array<i32>} : memref<16x3200xf32, #tpu.memory_space<vmem>>, vector<16xf32>,
          %gather3A_148 = vector.shape_cast %broadcast_in_dim3A : vector<16x1xi32> to vector<16xi32>
          %gather3A_149 = tpu.dynamic_gather %get3A_23[%gather3A_148] in [0] : vector<16xf32>, vector<16xi32> -> vector<16xf32>
          %swap3A_150 = arith.constant 7 : i32
          %swap3A_151 = arith.index_cast %swap3A_150 : i32 to index
          %swap3A_152 = arith.index_cast %mul3A_105 : i32 to index
          %swap3A_153 = tpu.vector_load %arg9[%swap3A_151, %swap3A_152] {strides = array<i32>} : memref<16x3200xf32, #tpu.memory_space<vmem>>, vector<16xf32>,
          tpu.vector_store %arg9[%swap3A_151, %swap3A_152], %gather3A_149 {strides = array<i32>} : memref<16x3200xf32, #tpu.memory_space<vmem>>, vector<16xf32>,
          %gather3A_154 = vector.shape_cast %broadcast_in_dim3A : vector<16x1xi32> to vector<16xi32>
          %gather3A_155 = tpu.dynamic_gather %get3A_25[%gather3A_154] in [0] : vector<16xf32>, vector<16xi32> -> vector<16xf32>
          %swap3A_156 = arith.constant 8 : i32
          %swap3A_157 = arith.index_cast %swap3A_156 : i32 to index
          %swap3A_158 = arith.index_cast %mul3A_105 : i32 to index
          %swap3A_159 = tpu.vector_load %arg9[%swap3A_157, %swap3A_158] {strides = array<i32>} : memref<16x3200xf32, #tpu.memory_space<vmem>>, vector<16xf32>,
          tpu.vector_store %arg9[%swap3A_157, %swap3A_158], %gather3A_155 {strides = array<i32>} : memref<16x3200xf32, #tpu.memory_space<vmem>>, vector<16xf32>,
          %gather3A_160 = vector.shape_cast %broadcast_in_dim3A : vector<16x1xi32> to vector<16xi32>
          %gather3A_161 = tpu.dynamic_gather %get3A_27[%gather3A_160] in [0] : vector<16xf32>, vector<16xi32> -> vector<16xf32>
          %swap3A_162 = arith.constant 9 : i32
          %swap3A_163 = arith.index_cast %swap3A_162 : i32 to index
          %swap3A_164 = arith.index_cast %mul3A_105 : i32 to index
          %swap3A_165 = tpu.vector_load %arg9[%swap3A_163, %swap3A_164] {strides = array<i32>} : memref<16x3200xf32, #tpu.memory_space<vmem>>, vector<16xf32>,
          tpu.vector_store %arg9[%swap3A_163, %swap3A_164], %gather3A_161 {strides = array<i32>} : memref<16x3200xf32, #tpu.memory_space<vmem>>, vector<16xf32>,
          %gather3A_166 = vector.shape_cast %broadcast_in_dim3A : vector<16x1xi32> to vector<16xi32>
          %gather3A_167 = tpu.dynamic_gather %get3A_29[%gather3A_166] in [0] : vector<16xf32>, vector<16xi32> -> vector<16xf32>
          %swap3A_168 = arith.constant 10 : i32
          %swap3A_169 = arith.index_cast %swap3A_168 : i32 to index
          %swap3A_170 = arith.index_cast %mul3A_105 : i32 to index
          %swap3A_171 = tpu.vector_load %arg9[%swap3A_169, %swap3A_170] {strides = array<i32>} : memref<16x3200xf32, #tpu.memory_space<vmem>>, vector<16xf32>,
          tpu.vector_store %arg9[%swap3A_169, %swap3A_170], %gather3A_167 {strides = array<i32>} : memref<16x3200xf32, #tpu.memory_space<vmem>>, vector<16xf32>,
          %gather3A_172 = vector.shape_cast %broadcast_in_dim3A : vector<16x1xi32> to vector<16xi32>
          %gather3A_173 = tpu.dynamic_gather %get3A_31[%gather3A_172] in [0] : vector<16xf32>, vector<16xi32> -> vector<16xf32>
          %swap3A_174 = arith.constant 11 : i32
          %swap3A_175 = arith.index_cast %swap3A_174 : i32 to index
          %swap3A_176 = arith.index_cast %mul3A_105 : i32 to index
          %swap3A_177 = tpu.vector_load %arg9[%swap3A_175, %swap3A_176] {strides = array<i32>} : memref<16x3200xf32, #tpu.memory_space<vmem>>, vector<16xf32>,
          tpu.vector_store %arg9[%swap3A_175, %swap3A_176], %gather3A_173 {strides = array<i32>} : memref<16x3200xf32, #tpu.memory_space<vmem>>, vector<16xf32>,
          %gather3A_178 = vector.shape_cast %broadcast_in_dim3A : vector<16x1xi32> to vector<16xi32>
          %gather3A_179 = tpu.dynamic_gather %get3A_33[%gather3A_178] in [0] : vector<16xf32>, vector<16xi32> -> vector<16xf32>
          %swap3A_180 = arith.constant 12 : i32
          %swap3A_181 = arith.index_cast %swap3A_180 : i32 to index
          %swap3A_182 = arith.index_cast %mul3A_105 : i32 to index
          %swap3A_183 = tpu.vector_load %arg9[%swap3A_181, %swap3A_182] {strides = array<i32>} : memref<16x3200xf32, #tpu.memory_space<vmem>>, vector<16xf32>,
          tpu.vector_store %arg9[%swap3A_181, %swap3A_182], %gather3A_179 {strides = array<i32>} : memref<16x3200xf32, #tpu.memory_space<vmem>>, vector<16xf32>,
          %gather3A_184 = vector.shape_cast %broadcast_in_dim3A : vector<16x1xi32> to vector<16xi32>
          %gather3A_185 = tpu.dynamic_gather %get3A_35[%gather3A_184] in [0] : vector<16xf32>, vector<16xi32> -> vector<16xf32>
          %swap3A_186 = arith.constant 13 : i32
          %swap3A_187 = arith.index_cast %swap3A_186 : i32 to index
          %swap3A_188 = arith.index_cast %mul3A_105 : i32 to index
          %swap3A_189 = tpu.vector_load %arg9[%swap3A_187, %swap3A_188] {strides = array<i32>} : memref<16x3200xf32, #tpu.memory_space<vmem>>, vector<16xf32>,
          tpu.vector_store %arg9[%swap3A_187, %swap3A_188], %gather3A_185 {strides = array<i32>} : memref<16x3200xf32, #tpu.memory_space<vmem>>, vector<16xf32>,
          %gather3A_190 = vector.shape_cast %broadcast_in_dim3A : vector<16x1xi32> to vector<16xi32>
          %gather3A_191 = tpu.dynamic_gather %get3A_37[%gather3A_190] in [0] : vector<16xf32>, vector<16xi32> -> vector<16xf32>
          %swap3A_192 = arith.constant 14 : i32
          %swap3A_193 = arith.index_cast %swap3A_192 : i32 to index
          %swap3A_194 = arith.index_cast %mul3A_105 : i32 to index
          %swap3A_195 = tpu.vector_load %arg9[%swap3A_193, %swap3A_194] {strides = array<i32>} : memref<16x3200xf32, #tpu.memory_space<vmem>>, vector<16xf32>,
          tpu.vector_store %arg9[%swap3A_193, %swap3A_194], %gather3A_191 {strides = array<i32>} : memref<16x3200xf32, #tpu.memory_space<vmem>>, vector<16xf32>,
          %gather3A_196 = vector.shape_cast %broadcast_in_dim3A : vector<16x1xi32> to vector<16xi32>
          %gather3A_197 = tpu.dynamic_gather %get3A_39[%gather3A_196] in [0] : vector<16xf32>, vector<16xi32> -> vector<16xf32>
          %swap3A_198 = arith.constant 15 : i32
          %swap3A_199 = arith.index_cast %swap3A_198 : i32 to index
          %swap3A_200 = arith.index_cast %mul3A_105 : i32 to index
          %swap3A_201 = tpu.vector_load %arg9[%swap3A_199, %swap3A_200] {strides = array<i32>} : memref<16x3200xf32, #tpu.memory_space<vmem>>, vector<16xf32>,
          tpu.vector_store %arg9[%swap3A_199, %swap3A_200], %gather3A_197 {strides = array<i32>} : memref<16x3200xf32, #tpu.memory_space<vmem>>, vector<16xf32>,
          %scan3A_202 = arith.constant 1 : i32
          %scan3A_203 = arith.addi %scan3A_103, %scan3A_202 : i32
          %mul3A_204 = arith.constant 16 : i32
          %mul3A_205 = arith.muli %scan3A_203, %mul3A_204 : i32
          %get3A_206 = arith.index_cast %mul3A_205 : i32 to index
          %get3A_207 = tpu.vector_load %arg7[%get3A_206] {strides = array<i32>} : memref<3200xi32, #tpu.memory_space<vmem>>, vector<16xi32>,
          %broadcast_in_dim3A_208 = vector.shape_cast %get3A_207 : vector<16xi32> to vector<16x1xi32>
          %gather3A_209 = vector.shape_cast %broadcast_in_dim3A_208 : vector<16x1xi32> to vector<16xi32>
          %gather3A_210 = tpu.dynamic_gather %get3A_9[%gather3A_209] in [0] : vector<16xf32>, vector<16xi32> -> vector<16xf32>
          %swap3A_211 = arith.constant 0 : i32
          %swap3A_212 = arith.index_cast %swap3A_211 : i32 to index
          %swap3A_213 = arith.index_cast %mul3A_205 : i32 to index
          %swap3A_214 = tpu.vector_load %arg9[%swap3A_212, %swap3A_213] {strides = array<i32>} : memref<16x3200xf32, #tpu.memory_space<vmem>>, vector<16xf32>,
          tpu.vector_store %arg9[%swap3A_212, %swap3A_213], %gather3A_210 {strides = array<i32>} : memref<16x3200xf32, #tpu.memory_space<vmem>>, vector<16xf32>,
          %gather3A_215 = vector.shape_cast %broadcast_in_dim3A_208 : vector<16x1xi32> to vector<16xi32>
          %gather3A_216 = tpu.dynamic_gather %get3A_11[%gather3A_215] in [0] : vector<16xf32>, vector<16xi32> -> vector<16xf32>
          %swap3A_217 = arith.constant 1 : i32
          %swap3A_218 = arith.index_cast %swap3A_217 : i32 to index
          %swap3A_219 = arith.index_cast %mul3A_205 : i32 to index
          %swap3A_220 = tpu.vector_load %arg9[%swap3A_218, %swap3A_219] {strides = array<i32>} : memref<16x3200xf32, #tpu.memory_space<vmem>>, vector<16xf32>,
          tpu.vector_store %arg9[%swap3A_218, %swap3A_219], %gather3A_216 {strides = array<i32>} : memref<16x3200xf32, #tpu.memory_space<vmem>>, vector<16xf32>,
          %gather3A_221 = vector.shape_cast %broadcast_in_dim3A_208 : vector<16x1xi32> to vector<16xi32>
          %gather3A_222 = tpu.dynamic_gather %get3A_13[%gather3A_221] in [0] : vector<16xf32>, vector<16xi32> -> vector<16xf32>
          %swap3A_223 = arith.constant 2 : i32
          %swap3A_224 = arith.index_cast %swap3A_223 : i32 to index
          %swap3A_225 = arith.index_cast %mul3A_205 : i32 to index
          %swap3A_226 = tpu.vector_load %arg9[%swap3A_224, %swap3A_225] {strides = array<i32>} : memref<16x3200xf32, #tpu.memory_space<vmem>>, vector<16xf32>,
          tpu.vector_store %arg9[%swap3A_224, %swap3A_225], %gather3A_222 {strides = array<i32>} : memref<16x3200xf32, #tpu.memory_space<vmem>>, vector<16xf32>,
          %gather3A_227 = vector.shape_cast %broadcast_in_dim3A_208 : vector<16x1xi32> to vector<16xi32>
          %gather3A_228 = tpu.dynamic_gather %get3A_15[%gather3A_227] in [0] : vector<16xf32>, vector<16xi32> -> vector<16xf32>
          %swap3A_229 = arith.constant 3 : i32
          %swap3A_230 = arith.index_cast %swap3A_229 : i32 to index
          %swap3A_231 = arith.index_cast %mul3A_205 : i32 to index
          %swap3A_232 = tpu.vector_load %arg9[%swap3A_230, %swap3A_231] {strides = array<i32>} : memref<16x3200xf32, #tpu.memory_space<vmem>>, vector<16xf32>,
          tpu.vector_store %arg9[%swap3A_230, %swap3A_231], %gather3A_228 {strides = array<i32>} : memref<16x3200xf32, #tpu.memory_space<vmem>>, vector<16xf32>,
          %gather3A_233 = vector.shape_cast %broadcast_in_dim3A_208 : vector<16x1xi32> to vector<16xi32>
          %gather3A_234 = tpu.dynamic_gather %get3A_17[%gather3A_233] in [0] : vector<16xf32>, vector<16xi32> -> vector<16xf32>
          %swap3A_235 = arith.constant 4 : i32
          %swap3A_236 = arith.index_cast %swap3A_235 : i32 to index
          %swap3A_237 = arith.index_cast %mul3A_205 : i32 to index
          %swap3A_238 = tpu.vector_load %arg9[%swap3A_236, %swap3A_237] {strides = array<i32>} : memref<16x3200xf32, #tpu.memory_space<vmem>>, vector<16xf32>,
          tpu.vector_store %arg9[%swap3A_236, %swap3A_237], %gather3A_234 {strides = array<i32>} : memref<16x3200xf32, #tpu.memory_space<vmem>>, vector<16xf32>,
          %gather3A_239 = vector.shape_cast %broadcast_in_dim3A_208 : vector<16x1xi32> to vector<16xi32>
          %gather3A_240 = tpu.dynamic_gather %get3A_19[%gather3A_239] in [0] : vector<16xf32>, vector<16xi32> -> vector<16xf32>
          %swap3A_241 = arith.constant 5 : i32
          %swap3A_242 = arith.index_cast %swap3A_241 : i32 to index
          %swap3A_243 = arith.index_cast %mul3A_205 : i32 to index
          %swap3A_244 = tpu.vector_load %arg9[%swap3A_242, %swap3A_243] {strides = array<i32>} : memref<16x3200xf32, #tpu.memory_space<vmem>>, vector<16xf32>,
          tpu.vector_store %arg9[%swap3A_242, %swap3A_243], %gather3A_240 {strides = array<i32>} : memref<16x3200xf32, #tpu.memory_space<vmem>>, vector<16xf32>,
          %gather3A_245 = vector.shape_cast %broadcast_in_dim3A_208 : vector<16x1xi32> to vector<16xi32>
          %gather3A_246 = tpu.dynamic_gather %get3A_21[%gather3A_245] in [0] : vector<16xf32>, vector<16xi32> -> vector<16xf32>
          %swap3A_247 = arith.constant 6 : i32
          %swap3A_248 = arith.index_cast %swap3A_247 : i32 to index
          %swap3A_249 = arith.index_cast %mul3A_205 : i32 to index
          %swap3A_250 = tpu.vector_load %arg9[%swap3A_248, %swap3A_249] {strides = array<i32>} : memref<16x3200xf32, #tpu.memory_space<vmem>>, vector<16xf32>,
          tpu.vector_store %arg9[%swap3A_248, %swap3A_249], %gather3A_246 {strides = array<i32>} : memref<16x3200xf32, #tpu.memory_space<vmem>>, vector<16xf32>,
          %gather3A_251 = vector.shape_cast %broadcast_in_dim3A_208 : vector<16x1xi32> to vector<16xi32>
          %gather3A_252 = tpu.dynamic_gather %get3A_23[%gather3A_251] in [0] : vector<16xf32>, vector<16xi32> -> vector<16xf32>
          %swap3A_253 = arith.constant 7 : i32
          %swap3A_254 = arith.index_cast %swap3A_253 : i32 to index
          %swap3A_255 = arith.index_cast %mul3A_205 : i32 to index
          %swap3A_256 = tpu.vector_load %arg9[%swap3A_254, %swap3A_255] {strides = array<i32>} : memref<16x3200xf32, #tpu.memory_space<vmem>>, vector<16xf32>,
          tpu.vector_store %arg9[%swap3A_254, %swap3A_255], %gather3A_252 {strides = array<i32>} : memref<16x3200xf32, #tpu.memory_space<vmem>>, vector<16xf32>,
          %gather3A_257 = vector.shape_cast %broadcast_in_dim3A_208 : vector<16x1xi32> to vector<16xi32>
          %gather3A_258 = tpu.dynamic_gather %get3A_25[%gather3A_257] in [0] : vector<16xf32>, vector<16xi32> -> vector<16xf32>
          %swap3A_259 = arith.constant 8 : i32
          %swap3A_260 = arith.index_cast %swap3A_259 : i32 to index
          %swap3A_261 = arith.index_cast %mul3A_205 : i32 to index
          %swap3A_262 = tpu.vector_load %arg9[%swap3A_260, %swap3A_261] {strides = array<i32>} : memref<16x3200xf32, #tpu.memory_space<vmem>>, vector<16xf32>,
          tpu.vector_store %arg9[%swap3A_260, %swap3A_261], %gather3A_258 {strides = array<i32>} : memref<16x3200xf32, #tpu.memory_space<vmem>>, vector<16xf32>,
          %gather3A_263 = vector.shape_cast %broadcast_in_dim3A_208 : vector<16x1xi32> to vector<16xi32>
          %gather3A_264 = tpu.dynamic_gather %get3A_27[%gather3A_263] in [0] : vector<16xf32>, vector<16xi32> -> vector<16xf32>
          %swap3A_265 = arith.constant 9 : i32
          %swap3A_266 = arith.index_cast %swap3A_265 : i32 to index
          %swap3A_267 = arith.index_cast %mul3A_205 : i32 to index
          %swap3A_268 = tpu.vector_load %arg9[%swap3A_266, %swap3A_267] {strides = array<i32>} : memref<16x3200xf32, #tpu.memory_space<vmem>>, vector<16xf32>,
          tpu.vector_store %arg9[%swap3A_266, %swap3A_267], %gather3A_264 {strides = array<i32>} : memref<16x3200xf32, #tpu.memory_space<vmem>>, vector<16xf32>,
          %gather3A_269 = vector.shape_cast %broadcast_in_dim3A_208 : vector<16x1xi32> to vector<16xi32>
          %gather3A_270 = tpu.dynamic_gather %get3A_29[%gather3A_269] in [0] : vector<16xf32>, vector<16xi32> -> vector<16xf32>
          %swap3A_271 = arith.constant 10 : i32
          %swap3A_272 = arith.index_cast %swap3A_271 : i32 to index
          %swap3A_273 = arith.index_cast %mul3A_205 : i32 to index
          %swap3A_274 = tpu.vector_load %arg9[%swap3A_272, %swap3A_273] {strides = array<i32>} : memref<16x3200xf32, #tpu.memory_space<vmem>>, vector<16xf32>,
          tpu.vector_store %arg9[%swap3A_272, %swap3A_273], %gather3A_270 {strides = array<i32>} : memref<16x3200xf32, #tpu.memory_space<vmem>>, vector<16xf32>,
          %gather3A_275 = vector.shape_cast %broadcast_in_dim3A_208 : vector<16x1xi32> to vector<16xi32>
          %gather3A_276 = tpu.dynamic_gather %get3A_31[%gather3A_275] in [0] : vector<16xf32>, vector<16xi32> -> vector<16xf32>
          %swap3A_277 = arith.constant 11 : i32
          %swap3A_278 = arith.index_cast %swap3A_277 : i32 to index
          %swap3A_279 = arith.index_cast %mul3A_205 : i32 to index
          %swap3A_280 = tpu.vector_load %arg9[%swap3A_278, %swap3A_279] {strides = array<i32>} : memref<16x3200xf32, #tpu.memory_space<vmem>>, vector<16xf32>,
          tpu.vector_store %arg9[%swap3A_278, %swap3A_279], %gather3A_276 {strides = array<i32>} : memref<16x3200xf32, #tpu.memory_space<vmem>>, vector<16xf32>,
          %gather3A_281 = vector.shape_cast %broadcast_in_dim3A_208 : vector<16x1xi32> to vector<16xi32>
          %gather3A_282 = tpu.dynamic_gather %get3A_33[%gather3A_281] in [0] : vector<16xf32>, vector<16xi32> -> vector<16xf32>
          %swap3A_283 = arith.constant 12 : i32
          %swap3A_284 = arith.index_cast %swap3A_283 : i32 to index
          %swap3A_285 = arith.index_cast %mul3A_205 : i32 to index
          %swap3A_286 = tpu.vector_load %arg9[%swap3A_284, %swap3A_285] {strides = array<i32>} : memref<16x3200xf32, #tpu.memory_space<vmem>>, vector<16xf32>,
          tpu.vector_store %arg9[%swap3A_284, %swap3A_285], %gather3A_282 {strides = array<i32>} : memref<16x3200xf32, #tpu.memory_space<vmem>>, vector<16xf32>,
          %gather3A_287 = vector.shape_cast %broadcast_in_dim3A_208 : vector<16x1xi32> to vector<16xi32>
          %gather3A_288 = tpu.dynamic_gather %get3A_35[%gather3A_287] in [0] : vector<16xf32>, vector<16xi32> -> vector<16xf32>
          %swap3A_289 = arith.constant 13 : i32
          %swap3A_290 = arith.index_cast %swap3A_289 : i32 to index
          %swap3A_291 = arith.index_cast %mul3A_205 : i32 to index
          %swap3A_292 = tpu.vector_load %arg9[%swap3A_290, %swap3A_291] {strides = array<i32>} : memref<16x3200xf32, #tpu.memory_space<vmem>>, vector<16xf32>,
          tpu.vector_store %arg9[%swap3A_290, %swap3A_291], %gather3A_288 {strides = array<i32>} : memref<16x3200xf32, #tpu.memory_space<vmem>>, vector<16xf32>,
          %gather3A_293 = vector.shape_cast %broadcast_in_dim3A_208 : vector<16x1xi32> to vector<16xi32>
          %gather3A_294 = tpu.dynamic_gather %get3A_37[%gather3A_293] in [0] : vector<16xf32>, vector<16xi32> -> vector<16xf32>
          %swap3A_295 = arith.constant 14 : i32
          %swap3A_296 = arith.index_cast %swap3A_295 : i32 to index
          %swap3A_297 = arith.index_cast %mul3A_205 : i32 to index
          %swap3A_298 = tpu.vector_load %arg9[%swap3A_296, %swap3A_297] {strides = array<i32>} : memref<16x3200xf32, #tpu.memory_space<vmem>>, vector<16xf32>,
          tpu.vector_store %arg9[%swap3A_296, %swap3A_297], %gather3A_294 {strides = array<i32>} : memref<16x3200xf32, #tpu.memory_space<vmem>>, vector<16xf32>,
          %gather3A_299 = vector.shape_cast %broadcast_in_dim3A_208 : vector<16x1xi32> to vector<16xi32>
          %gather3A_300 = tpu.dynamic_gather %get3A_39[%gather3A_299] in [0] : vector<16xf32>, vector<16xi32> -> vector<16xf32>
          %swap3A_301 = arith.constant 15 : i32
          %swap3A_302 = arith.index_cast %swap3A_301 : i32 to index
          %swap3A_303 = arith.index_cast %mul3A_205 : i32 to index
          %swap3A_304 = tpu.vector_load %arg9[%swap3A_302, %swap3A_303] {strides = array<i32>} : memref<16x3200xf32, #tpu.memory_space<vmem>>, vector<16xf32>,
          tpu.vector_store %arg9[%swap3A_302, %swap3A_303], %gather3A_300 {strides = array<i32>} : memref<16x3200xf32, #tpu.memory_space<vmem>>, vector<16xf32>,
          %scan3A_305 = arith.constant 2 : i32
          %scan3A_306 = arith.addi %scan3A_103, %scan3A_305 : i32
          %mul3A_307 = arith.constant 16 : i32
          %mul3A_308 = arith.muli %scan3A_306, %mul3A_307 : i32
          %get3A_309 = arith.index_cast %mul3A_308 : i32 to index
          %get3A_310 = tpu.vector_load %arg7[%get3A_309] {strides = array<i32>} : memref<3200xi32, #tpu.memory_space<vmem>>, vector<16xi32>,
          %broadcast_in_dim3A_311 = vector.shape_cast %get3A_310 : vector<16xi32> to vector<16x1xi32>
          %gather3A_312 = vector.shape_cast %broadcast_in_dim3A_311 : vector<16x1xi32> to vector<16xi32>
          %gather3A_313 = tpu.dynamic_gather %get3A_9[%gather3A_312] in [0] : vector<16xf32>, vector<16xi32> -> vector<16xf32>
          %swap3A_314 = arith.constant 0 : i32
          %swap3A_315 = arith.index_cast %swap3A_314 : i32 to index
          %swap3A_316 = arith.index_cast %mul3A_308 : i32 to index
          %swap3A_317 = tpu.vector_load %arg9[%swap3A_315, %swap3A_316] {strides = array<i32>} : memref<16x3200xf32, #tpu.memory_space<vmem>>, vector<16xf32>,
          tpu.vector_store %arg9[%swap3A_315, %swap3A_316], %gather3A_313 {strides = array<i32>} : memref<16x3200xf32, #tpu.memory_space<vmem>>, vector<16xf32>,
          %gather3A_318 = vector.shape_cast %broadcast_in_dim3A_311 : vector<16x1xi32> to vector<16xi32>
          %gather3A_319 = tpu.dynamic_gather %get3A_11[%gather3A_318] in [0] : vector<16xf32>, vector<16xi32> -> vector<16xf32>
          %swap3A_320 = arith.constant 1 : i32
          %swap3A_321 = arith.index_cast %swap3A_320 : i32 to index
          %swap3A_322 = arith.index_cast %mul3A_308 : i32 to index
          %swap3A_323 = tpu.vector_load %arg9[%swap3A_321, %swap3A_322] {strides = array<i32>} : memref<16x3200xf32, #tpu.memory_space<vmem>>, vector<16xf32>,
          tpu.vector_store %arg9[%swap3A_321, %swap3A_322], %gather3A_319 {strides = array<i32>} : memref<16x3200xf32, #tpu.memory_space<vmem>>, vector<16xf32>,
          %gather3A_324 = vector.shape_cast %broadcast_in_dim3A_311 : vector<16x1xi32> to vector<16xi32>
          %gather3A_325 = tpu.dynamic_gather %get3A_13[%gather3A_324] in [0] : vector<16xf32>, vector<16xi32> -> vector<16xf32>
          %swap3A_326 = arith.constant 2 : i32
          %swap3A_327 = arith.index_cast %swap3A_326 : i32 to index
          %swap3A_328 = arith.index_cast %mul3A_308 : i32 to index
          %swap3A_329 = tpu.vector_load %arg9[%swap3A_327, %swap3A_328] {strides = array<i32>} : memref<16x3200xf32, #tpu.memory_space<vmem>>, vector<16xf32>,
          tpu.vector_store %arg9[%swap3A_327, %swap3A_328], %gather3A_325 {strides = array<i32>} : memref<16x3200xf32, #tpu.memory_space<vmem>>, vector<16xf32>,
          %gather3A_330 = vector.shape_cast %broadcast_in_dim3A_311 : vector<16x1xi32> to vector<16xi32>
          %gather3A_331 = tpu.dynamic_gather %get3A_15[%gather3A_330] in [0] : vector<16xf32>, vector<16xi32> -> vector<16xf32>
          %swap3A_332 = arith.constant 3 : i32
          %swap3A_333 = arith.index_cast %swap3A_332 : i32 to index
          %swap3A_334 = arith.index_cast %mul3A_308 : i32 to index
          %swap3A_335 = tpu.vector_load %arg9[%swap3A_333, %swap3A_334] {strides = array<i32>} : memref<16x3200xf32, #tpu.memory_space<vmem>>, vector<16xf32>,
          tpu.vector_store %arg9[%swap3A_333, %swap3A_334], %gather3A_331 {strides = array<i32>} : memref<16x3200xf32, #tpu.memory_space<vmem>>, vector<16xf32>,
          %gather3A_336 = vector.shape_cast %broadcast_in_dim3A_311 : vector<16x1xi32> to vector<16xi32>
          %gather3A_337 = tpu.dynamic_gather %get3A_17[%gather3A_336] in [0] : vector<16xf32>, vector<16xi32> -> vector<16xf32>
          %swap3A_338 = arith.constant 4 : i32
          %swap3A_339 = arith.index_cast %swap3A_338 : i32 to index
          %swap3A_340 = arith.index_cast %mul3A_308 : i32 to index
          %swap3A_341 = tpu.vector_load %arg9[%swap3A_339, %swap3A_340] {strides = array<i32>} : memref<16x3200xf32, #tpu.memory_space<vmem>>, vector<16xf32>,
          tpu.vector_store %arg9[%swap3A_339, %swap3A_340], %gather3A_337 {strides = array<i32>} : memref<16x3200xf32, #tpu.memory_space<vmem>>, vector<16xf32>,
          %gather3A_342 = vector.shape_cast %broadcast_in_dim3A_311 : vector<16x1xi32> to vector<16xi32>
          %gather3A_343 = tpu.dynamic_gather %get3A_19[%gather3A_342] in [0] : vector<16xf32>, vector<16xi32> -> vector<16xf32>
          %swap3A_344 = arith.constant 5 : i32
          %swap3A_345 = arith.index_cast %swap3A_344 : i32 to index
          %swap3A_346 = arith.index_cast %mul3A_308 : i32 to index
          %swap3A_347 = tpu.vector_load %arg9[%swap3A_345, %swap3A_346] {strides = array<i32>} : memref<16x3200xf32, #tpu.memory_space<vmem>>, vector<16xf32>,
          tpu.vector_store %arg9[%swap3A_345, %swap3A_346], %gather3A_343 {strides = array<i32>} : memref<16x3200xf32, #tpu.memory_space<vmem>>, vector<16xf32>,
          %gather3A_348 = vector.shape_cast %broadcast_in_dim3A_311 : vector<16x1xi32> to vector<16xi32>
          %gather3A_349 = tpu.dynamic_gather %get3A_21[%gather3A_348] in [0] : vector<16xf32>, vector<16xi32> -> vector<16xf32>
          %swap3A_350 = arith.constant 6 : i32
          %swap3A_351 = arith.index_cast %swap3A_350 : i32 to index
          %swap3A_352 = arith.index_cast %mul3A_308 : i32 to index
          %swap3A_353 = tpu.vector_load %arg9[%swap3A_351, %swap3A_352] {strides = array<i32>} : memref<16x3200xf32, #tpu.memory_space<vmem>>, vector<16xf32>,
          tpu.vector_store %arg9[%swap3A_351, %swap3A_352], %gather3A_349 {strides = array<i32>} : memref<16x3200xf32, #tpu.memory_space<vmem>>, vector<16xf32>,
          %gather3A_354 = vector.shape_cast %broadcast_in_dim3A_311 : vector<16x1xi32> to vector<16xi32>
          %gather3A_355 = tpu.dynamic_gather %get3A_23[%gather3A_354] in [0] : vector<16xf32>, vector<16xi32> -> vector<16xf32>
          %swap3A_356 = arith.constant 7 : i32
          %swap3A_357 = arith.index_cast %swap3A_356 : i32 to index
          %swap3A_358 = arith.index_cast %mul3A_308 : i32 to index
          %swap3A_359 = tpu.vector_load %arg9[%swap3A_357, %swap3A_358] {strides = array<i32>} : memref<16x3200xf32, #tpu.memory_space<vmem>>, vector<16xf32>,
          tpu.vector_store %arg9[%swap3A_357, %swap3A_358], %gather3A_355 {strides = array<i32>} : memref<16x3200xf32, #tpu.memory_space<vmem>>, vector<16xf32>,
          %gather3A_360 = vector.shape_cast %broadcast_in_dim3A_311 : vector<16x1xi32> to vector<16xi32>
          %gather3A_361 = tpu.dynamic_gather %get3A_25[%gather3A_360] in [0] : vector<16xf32>, vector<16xi32> -> vector<16xf32>
          %swap3A_362 = arith.constant 8 : i32
          %swap3A_363 = arith.index_cast %swap3A_362 : i32 to index
          %swap3A_364 = arith.index_cast %mul3A_308 : i32 to index
          %swap3A_365 = tpu.vector_load %arg9[%swap3A_363, %swap3A_364] {strides = array<i32>} : memref<16x3200xf32, #tpu.memory_space<vmem>>, vector<16xf32>,
          tpu.vector_store %arg9[%swap3A_363, %swap3A_364], %gather3A_361 {strides = array<i32>} : memref<16x3200xf32, #tpu.memory_space<vmem>>, vector<16xf32>,
          %gather3A_366 = vector.shape_cast %broadcast_in_dim3A_311 : vector<16x1xi32> to vector<16xi32>
          %gather3A_367 = tpu.dynamic_gather %get3A_27[%gather3A_366] in [0] : vector<16xf32>, vector<16xi32> -> vector<16xf32>
          %swap3A_368 = arith.constant 9 : i32
          %swap3A_369 = arith.index_cast %swap3A_368 : i32 to index
          %swap3A_370 = arith.index_cast %mul3A_308 : i32 to index
          %swap3A_371 = tpu.vector_load %arg9[%swap3A_369, %swap3A_370] {strides = array<i32>} : memref<16x3200xf32, #tpu.memory_space<vmem>>, vector<16xf32>,
          tpu.vector_store %arg9[%swap3A_369, %swap3A_370], %gather3A_367 {strides = array<i32>} : memref<16x3200xf32, #tpu.memory_space<vmem>>, vector<16xf32>,
          %gather3A_372 = vector.shape_cast %broadcast_in_dim3A_311 : vector<16x1xi32> to vector<16xi32>
          %gather3A_373 = tpu.dynamic_gather %get3A_29[%gather3A_372] in [0] : vector<16xf32>, vector<16xi32> -> vector<16xf32>
          %swap3A_374 = arith.constant 10 : i32
          %swap3A_375 = arith.index_cast %swap3A_374 : i32 to index
          %swap3A_376 = arith.index_cast %mul3A_308 : i32 to index
          %swap3A_377 = tpu.vector_load %arg9[%swap3A_375, %swap3A_376] {strides = array<i32>} : memref<16x3200xf32, #tpu.memory_space<vmem>>, vector<16xf32>,
          tpu.vector_store %arg9[%swap3A_375, %swap3A_376], %gather3A_373 {strides = array<i32>} : memref<16x3200xf32, #tpu.memory_space<vmem>>, vector<16xf32>,
          %gather3A_378 = vector.shape_cast %broadcast_in_dim3A_311 : vector<16x1xi32> to vector<16xi32>
          %gather3A_379 = tpu.dynamic_gather %get3A_31[%gather3A_378] in [0] : vector<16xf32>, vector<16xi32> -> vector<16xf32>
          %swap3A_380 = arith.constant 11 : i32
          %swap3A_381 = arith.index_cast %swap3A_380 : i32 to index
          %swap3A_382 = arith.index_cast %mul3A_308 : i32 to index
          %swap3A_383 = tpu.vector_load %arg9[%swap3A_381, %swap3A_382] {strides = array<i32>} : memref<16x3200xf32, #tpu.memory_space<vmem>>, vector<16xf32>,
          tpu.vector_store %arg9[%swap3A_381, %swap3A_382], %gather3A_379 {strides = array<i32>} : memref<16x3200xf32, #tpu.memory_space<vmem>>, vector<16xf32>,
          %gather3A_384 = vector.shape_cast %broadcast_in_dim3A_311 : vector<16x1xi32> to vector<16xi32>
          %gather3A_385 = tpu.dynamic_gather %get3A_33[%gather3A_384] in [0] : vector<16xf32>, vector<16xi32> -> vector<16xf32>
          %swap3A_386 = arith.constant 12 : i32
          %swap3A_387 = arith.index_cast %swap3A_386 : i32 to index
          %swap3A_388 = arith.index_cast %mul3A_308 : i32 to index
          %swap3A_389 = tpu.vector_load %arg9[%swap3A_387, %swap3A_388] {strides = array<i32>} : memref<16x3200xf32, #tpu.memory_space<vmem>>, vector<16xf32>,
          tpu.vector_store %arg9[%swap3A_387, %swap3A_388], %gather3A_385 {strides = array<i32>} : memref<16x3200xf32, #tpu.memory_space<vmem>>, vector<16xf32>,
          %gather3A_390 = vector.shape_cast %broadcast_in_dim3A_311 : vector<16x1xi32> to vector<16xi32>
          %gather3A_391 = tpu.dynamic_gather %get3A_35[%gather3A_390] in [0] : vector<16xf32>, vector<16xi32> -> vector<16xf32>
          %swap3A_392 = arith.constant 13 : i32
          %swap3A_393 = arith.index_cast %swap3A_392 : i32 to index
          %swap3A_394 = arith.index_cast %mul3A_308 : i32 to index
          %swap3A_395 = tpu.vector_load %arg9[%swap3A_393, %swap3A_394] {strides = array<i32>} : memref<16x3200xf32, #tpu.memory_space<vmem>>, vector<16xf32>,
          tpu.vector_store %arg9[%swap3A_393, %swap3A_394], %gather3A_391 {strides = array<i32>} : memref<16x3200xf32, #tpu.memory_space<vmem>>, vector<16xf32>,
          %gather3A_396 = vector.shape_cast %broadcast_in_dim3A_311 : vector<16x1xi32> to vector<16xi32>
          %gather3A_397 = tpu.dynamic_gather %get3A_37[%gather3A_396] in [0] : vector<16xf32>, vector<16xi32> -> vector<16xf32>
          %swap3A_398 = arith.constant 14 : i32
          %swap3A_399 = arith.index_cast %swap3A_398 : i32 to index
          %swap3A_400 = arith.index_cast %mul3A_308 : i32 to index
          %swap3A_401 = tpu.vector_load %arg9[%swap3A_399, %swap3A_400] {strides = array<i32>} : memref<16x3200xf32, #tpu.memory_space<vmem>>, vector<16xf32>,
          tpu.vector_store %arg9[%swap3A_399, %swap3A_400], %gather3A_397 {strides = array<i32>} : memref<16x3200xf32, #tpu.memory_space<vmem>>, vector<16xf32>,
          %gather3A_402 = vector.shape_cast %broadcast_in_dim3A_311 : vector<16x1xi32> to vector<16xi32>
          %gather3A_403 = tpu.dynamic_gather %get3A_39[%gather3A_402] in [0] : vector<16xf32>, vector<16xi32> -> vector<16xf32>
          %swap3A_404 = arith.constant 15 : i32
          %swap3A_405 = arith.index_cast %swap3A_404 : i32 to index
          %swap3A_406 = arith.index_cast %mul3A_308 : i32 to index
          %swap3A_407 = tpu.vector_load %arg9[%swap3A_405, %swap3A_406] {strides = array<i32>} : memref<16x3200xf32, #tpu.memory_space<vmem>>, vector<16xf32>,
          tpu.vector_store %arg9[%swap3A_405, %swap3A_406], %gather3A_403 {strides = array<i32>} : memref<16x3200xf32, #tpu.memory_space<vmem>>, vector<16xf32>,
          %scan3A_408 = arith.constant 3 : i32
          %scan3A_409 = arith.addi %scan3A_103, %scan3A_408 : i32
          %mul3A_410 = arith.constant 16 : i32
          %mul3A_411 = arith.muli %scan3A_409, %mul3A_410 : i32
          %get3A_412 = arith.index_cast %mul3A_411 : i32 to index
          %get3A_413 = tpu.vector_load %arg7[%get3A_412] {strides = array<i32>} : memref<3200xi32, #tpu.memory_space<vmem>>, vector<16xi32>,
          %broadcast_in_dim3A_414 = vector.shape_cast %get3A_413 : vector<16xi32> to vector<16x1xi32>
          %gather3A_415 = vector.shape_cast %broadcast_in_dim3A_414 : vector<16x1xi32> to vector<16xi32>
          %gather3A_416 = tpu.dynamic_gather %get3A_9[%gather3A_415] in [0] : vector<16xf32>, vector<16xi32> -> vector<16xf32>
          %swap3A_417 = arith.constant 0 : i32
          %swap3A_418 = arith.index_cast %swap3A_417 : i32 to index
          %swap3A_419 = arith.index_cast %mul3A_411 : i32 to index
          %swap3A_420 = tpu.vector_load %arg9[%swap3A_418, %swap3A_419] {strides = array<i32>} : memref<16x3200xf32, #tpu.memory_space<vmem>>, vector<16xf32>,
          tpu.vector_store %arg9[%swap3A_418, %swap3A_419], %gather3A_416 {strides = array<i32>} : memref<16x3200xf32, #tpu.memory_space<vmem>>, vector<16xf32>,
          %gather3A_421 = vector.shape_cast %broadcast_in_dim3A_414 : vector<16x1xi32> to vector<16xi32>
          %gather3A_422 = tpu.dynamic_gather %get3A_11[%gather3A_421] in [0] : vector<16xf32>, vector<16xi32> -> vector<16xf32>
          %swap3A_423 = arith.constant 1 : i32
          %swap3A_424 = arith.index_cast %swap3A_423 : i32 to index
          %swap3A_425 = arith.index_cast %mul3A_411 : i32 to index
          %swap3A_426 = tpu.vector_load %arg9[%swap3A_424, %swap3A_425] {strides = array<i32>} : memref<16x3200xf32, #tpu.memory_space<vmem>>, vector<16xf32>,
          tpu.vector_store %arg9[%swap3A_424, %swap3A_425], %gather3A_422 {strides = array<i32>} : memref<16x3200xf32, #tpu.memory_space<vmem>>, vector<16xf32>,
          %gather3A_427 = vector.shape_cast %broadcast_in_dim3A_414 : vector<16x1xi32> to vector<16xi32>
          %gather3A_428 = tpu.dynamic_gather %get3A_13[%gather3A_427] in [0] : vector<16xf32>, vector<16xi32> -> vector<16xf32>
          %swap3A_429 = arith.constant 2 : i32
          %swap3A_430 = arith.index_cast %swap3A_429 : i32 to index
          %swap3A_431 = arith.index_cast %mul3A_411 : i32 to index
          %swap3A_432 = tpu.vector_load %arg9[%swap3A_430, %swap3A_431] {strides = array<i32>} : memref<16x3200xf32, #tpu.memory_space<vmem>>, vector<16xf32>,
          tpu.vector_store %arg9[%swap3A_430, %swap3A_431], %gather3A_428 {strides = array<i32>} : memref<16x3200xf32, #tpu.memory_space<vmem>>, vector<16xf32>,
          %gather3A_433 = vector.shape_cast %broadcast_in_dim3A_414 : vector<16x1xi32> to vector<16xi32>
          %gather3A_434 = tpu.dynamic_gather %get3A_15[%gather3A_433] in [0] : vector<16xf32>, vector<16xi32> -> vector<16xf32>
          %swap3A_435 = arith.constant 3 : i32
          %swap3A_436 = arith.index_cast %swap3A_435 : i32 to index
          %swap3A_437 = arith.index_cast %mul3A_411 : i32 to index
          %swap3A_438 = tpu.vector_load %arg9[%swap3A_436, %swap3A_437] {strides = array<i32>} : memref<16x3200xf32, #tpu.memory_space<vmem>>, vector<16xf32>,
          tpu.vector_store %arg9[%swap3A_436, %swap3A_437], %gather3A_434 {strides = array<i32>} : memref<16x3200xf32, #tpu.memory_space<vmem>>, vector<16xf32>,
          %gather3A_439 = vector.shape_cast %broadcast_in_dim3A_414 : vector<16x1xi32> to vector<16xi32>
          %gather3A_440 = tpu.dynamic_gather %get3A_17[%gather3A_439] in [0] : vector<16xf32>, vector<16xi32> -> vector<16xf32>
          %swap3A_441 = arith.constant 4 : i32
          %swap3A_442 = arith.index_cast %swap3A_441 : i32 to index
          %swap3A_443 = arith.index_cast %mul3A_411 : i32 to index
          %swap3A_444 = tpu.vector_load %arg9[%swap3A_442, %swap3A_443] {strides = array<i32>} : memref<16x3200xf32, #tpu.memory_space<vmem>>, vector<16xf32>,
          tpu.vector_store %arg9[%swap3A_442, %swap3A_443], %gather3A_440 {strides = array<i32>} : memref<16x3200xf32, #tpu.memory_space<vmem>>, vector<16xf32>,
          %gather3A_445 = vector.shape_cast %broadcast_in_dim3A_414 : vector<16x1xi32> to vector<16xi32>
          %gather3A_446 = tpu.dynamic_gather %get3A_19[%gather3A_445] in [0] : vector<16xf32>, vector<16xi32> -> vector<16xf32>
          %swap3A_447 = arith.constant 5 : i32
          %swap3A_448 = arith.index_cast %swap3A_447 : i32 to index
          %swap3A_449 = arith.index_cast %mul3A_411 : i32 to index
          %swap3A_450 = tpu.vector_load %arg9[%swap3A_448, %swap3A_449] {strides = array<i32>} : memref<16x3200xf32, #tpu.memory_space<vmem>>, vector<16xf32>,
          tpu.vector_store %arg9[%swap3A_448, %swap3A_449], %gather3A_446 {strides = array<i32>} : memref<16x3200xf32, #tpu.memory_space<vmem>>, vector<16xf32>,
          %gather3A_451 = vector.shape_cast %broadcast_in_dim3A_414 : vector<16x1xi32> to vector<16xi32>
          %gather3A_452 = tpu.dynamic_gather %get3A_21[%gather3A_451] in [0] : vector<16xf32>, vector<16xi32> -> vector<16xf32>
          %swap3A_453 = arith.constant 6 : i32
          %swap3A_454 = arith.index_cast %swap3A_453 : i32 to index
          %swap3A_455 = arith.index_cast %mul3A_411 : i32 to index
          %swap3A_456 = tpu.vector_load %arg9[%swap3A_454, %swap3A_455] {strides = array<i32>} : memref<16x3200xf32, #tpu.memory_space<vmem>>, vector<16xf32>,
          tpu.vector_store %arg9[%swap3A_454, %swap3A_455], %gather3A_452 {strides = array<i32>} : memref<16x3200xf32, #tpu.memory_space<vmem>>, vector<16xf32>,
          %gather3A_457 = vector.shape_cast %broadcast_in_dim3A_414 : vector<16x1xi32> to vector<16xi32>
          %gather3A_458 = tpu.dynamic_gather %get3A_23[%gather3A_457] in [0] : vector<16xf32>, vector<16xi32> -> vector<16xf32>
          %swap3A_459 = arith.constant 7 : i32
          %swap3A_460 = arith.index_cast %swap3A_459 : i32 to index
          %swap3A_461 = arith.index_cast %mul3A_411 : i32 to index
          %swap3A_462 = tpu.vector_load %arg9[%swap3A_460, %swap3A_461] {strides = array<i32>} : memref<16x3200xf32, #tpu.memory_space<vmem>>, vector<16xf32>,
          tpu.vector_store %arg9[%swap3A_460, %swap3A_461], %gather3A_458 {strides = array<i32>} : memref<16x3200xf32, #tpu.memory_space<vmem>>, vector<16xf32>,
          %gather3A_463 = vector.shape_cast %broadcast_in_dim3A_414 : vector<16x1xi32> to vector<16xi32>
          %gather3A_464 = tpu.dynamic_gather %get3A_25[%gather3A_463] in [0] : vector<16xf32>, vector<16xi32> -> vector<16xf32>
          %swap3A_465 = arith.constant 8 : i32
          %swap3A_466 = arith.index_cast %swap3A_465 : i32 to index
          %swap3A_467 = arith.index_cast %mul3A_411 : i32 to index
          %swap3A_468 = tpu.vector_load %arg9[%swap3A_466, %swap3A_467] {strides = array<i32>} : memref<16x3200xf32, #tpu.memory_space<vmem>>, vector<16xf32>,
          tpu.vector_store %arg9[%swap3A_466, %swap3A_467], %gather3A_464 {strides = array<i32>} : memref<16x3200xf32, #tpu.memory_space<vmem>>, vector<16xf32>,
          %gather3A_469 = vector.shape_cast %broadcast_in_dim3A_414 : vector<16x1xi32> to vector<16xi32>
          %gather3A_470 = tpu.dynamic_gather %get3A_27[%gather3A_469] in [0] : vector<16xf32>, vector<16xi32> -> vector<16xf32>
          %swap3A_471 = arith.constant 9 : i32
          %swap3A_472 = arith.index_cast %swap3A_471 : i32 to index
          %swap3A_473 = arith.index_cast %mul3A_411 : i32 to index
          %swap3A_474 = tpu.vector_load %arg9[%swap3A_472, %swap3A_473] {strides = array<i32>} : memref<16x3200xf32, #tpu.memory_space<vmem>>, vector<16xf32>,
          tpu.vector_store %arg9[%swap3A_472, %swap3A_473], %gather3A_470 {strides = array<i32>} : memref<16x3200xf32, #tpu.memory_space<vmem>>, vector<16xf32>,
          %gather3A_475 = vector.shape_cast %broadcast_in_dim3A_414 : vector<16x1xi32> to vector<16xi32>
          %gather3A_476 = tpu.dynamic_gather %get3A_29[%gather3A_475] in [0] : vector<16xf32>, vector<16xi32> -> vector<16xf32>
          %swap3A_477 = arith.constant 10 : i32
          %swap3A_478 = arith.index_cast %swap3A_477 : i32 to index
          %swap3A_479 = arith.index_cast %mul3A_411 : i32 to index
          %swap3A_480 = tpu.vector_load %arg9[%swap3A_478, %swap3A_479] {strides = array<i32>} : memref<16x3200xf32, #tpu.memory_space<vmem>>, vector<16xf32>,
          tpu.vector_store %arg9[%swap3A_478, %swap3A_479], %gather3A_476 {strides = array<i32>} : memref<16x3200xf32, #tpu.memory_space<vmem>>, vector<16xf32>,
          %gather3A_481 = vector.shape_cast %broadcast_in_dim3A_414 : vector<16x1xi32> to vector<16xi32>
          %gather3A_482 = tpu.dynamic_gather %get3A_31[%gather3A_481] in [0] : vector<16xf32>, vector<16xi32> -> vector<16xf32>
          %swap3A_483 = arith.constant 11 : i32
          %swap3A_484 = arith.index_cast %swap3A_483 : i32 to index
          %swap3A_485 = arith.index_cast %mul3A_411 : i32 to index
          %swap3A_486 = tpu.vector_load %arg9[%swap3A_484, %swap3A_485] {strides = array<i32>} : memref<16x3200xf32, #tpu.memory_space<vmem>>, vector<16xf32>,
          tpu.vector_store %arg9[%swap3A_484, %swap3A_485], %gather3A_482 {strides = array<i32>} : memref<16x3200xf32, #tpu.memory_space<vmem>>, vector<16xf32>,
          %gather3A_487 = vector.shape_cast %broadcast_in_dim3A_414 : vector<16x1xi32> to vector<16xi32>
          %gather3A_488 = tpu.dynamic_gather %get3A_33[%gather3A_487] in [0] : vector<16xf32>, vector<16xi32> -> vector<16xf32>
          %swap3A_489 = arith.constant 12 : i32
          %swap3A_490 = arith.index_cast %swap3A_489 : i32 to index
          %swap3A_491 = arith.index_cast %mul3A_411 : i32 to index
          %swap3A_492 = tpu.vector_load %arg9[%swap3A_490, %swap3A_491] {strides = array<i32>} : memref<16x3200xf32, #tpu.memory_space<vmem>>, vector<16xf32>,
          tpu.vector_store %arg9[%swap3A_490, %swap3A_491], %gather3A_488 {strides = array<i32>} : memref<16x3200xf32, #tpu.memory_space<vmem>>, vector<16xf32>,
          %gather3A_493 = vector.shape_cast %broadcast_in_dim3A_414 : vector<16x1xi32> to vector<16xi32>
          %gather3A_494 = tpu.dynamic_gather %get3A_35[%gather3A_493] in [0] : vector<16xf32>, vector<16xi32> -> vector<16xf32>
          %swap3A_495 = arith.constant 13 : i32
          %swap3A_496 = arith.index_cast %swap3A_495 : i32 to index
          %swap3A_497 = arith.index_cast %mul3A_411 : i32 to index
          %swap3A_498 = tpu.vector_load %arg9[%swap3A_496, %swap3A_497] {strides = array<i32>} : memref<16x3200xf32, #tpu.memory_space<vmem>>, vector<16xf32>,
          tpu.vector_store %arg9[%swap3A_496, %swap3A_497], %gather3A_494 {strides = array<i32>} : memref<16x3200xf32, #tpu.memory_space<vmem>>, vector<16xf32>,
          %gather3A_499 = vector.shape_cast %broadcast_in_dim3A_414 : vector<16x1xi32> to vector<16xi32>
          %gather3A_500 = tpu.dynamic_gather %get3A_37[%gather3A_499] in [0] : vector<16xf32>, vector<16xi32> -> vector<16xf32>
          %swap3A_501 = arith.constant 14 : i32
          %swap3A_502 = arith.index_cast %swap3A_501 : i32 to index
          %swap3A_503 = arith.index_cast %mul3A_411 : i32 to index
          %swap3A_504 = tpu.vector_load %arg9[%swap3A_502, %swap3A_503] {strides = array<i32>} : memref<16x3200xf32, #tpu.memory_space<vmem>>, vector<16xf32>,
          tpu.vector_store %arg9[%swap3A_502, %swap3A_503], %gather3A_500 {strides = array<i32>} : memref<16x3200xf32, #tpu.memory_space<vmem>>, vector<16xf32>,
          %gather3A_505 = vector.shape_cast %broadcast_in_dim3A_414 : vector<16x1xi32> to vector<16xi32>
          %gather3A_506 = tpu.dynamic_gather %get3A_39[%gather3A_505] in [0] : vector<16xf32>, vector<16xi32> -> vector<16xf32>
          %swap3A_507 = arith.constant 15 : i32
          %swap3A_508 = arith.index_cast %swap3A_507 : i32 to index
          %swap3A_509 = arith.index_cast %mul3A_411 : i32 to index
          %swap3A_510 = tpu.vector_load %arg9[%swap3A_508, %swap3A_509] {strides = array<i32>} : memref<16x3200xf32, #tpu.memory_space<vmem>>, vector<16xf32>,
          tpu.vector_store %arg9[%swap3A_508, %swap3A_509], %gather3A_506 {strides = array<i32>} : memref<16x3200xf32, #tpu.memory_space<vmem>>, vector<16xf32>,
        }
        %scan3A_98 = arith.constant 200 : i32
        %dma_start3A_99 = arith.constant 0 : i32
        %dma_start3A_100 = tpu.memref_slice %arg4[%dma_start3A_99, %mul3A_78] : memref<16x3200000xf32, #tpu.memory_space<hbm>> -> memref<16x3200xf32, #tpu.memory_space<hbm>>
        %dma_start3A_101 = arith.constant 0 : i32
        %dma_start3A_102 = tpu.memref_slice %arg4[%dma_start3A_101, %mul3A_78] : memref<16x3200000xf32, #tpu.memory_space<hbm>> -> memref<16x3200xf32, #tpu.memory_space<hbm>>
        tpu.enqueue_dma source(%arg9 : memref<16x3200xf32, #tpu.memory_space<vmem>>) target(%dma_start3A_102 : memref<16x3200xf32, #tpu.memory_space<hbm>>) target_semaphore(%arg12 : memref<!tpu.dma_semaphore, #tpu.memory_space<semaphore_mem>>)
      } else {
      }
    }
    %scan3A_49 = arith.constant 16 : i32
    %dma_wait3A = arith.constant 0 : i32
    %dma_wait3A_50 = arith.constant 0 : i32
    %dma_wait3A_51 = tpu.memref_slice %arg4[%dma_wait3A, %dma_wait3A_50] : memref<16x3200000xf32, #tpu.memory_space<hbm>> -> memref<16x3200xf32, #tpu.memory_space<hbm>>
    %dma_wait3A_52 = arith.constant 0 : i32
    %dma_wait3A_53 = arith.constant 0 : i32
    %dma_wait3A_54 = tpu.memref_slice %arg4[%dma_wait3A_52, %dma_wait3A_53] : memref<16x3200000xf32, #tpu.memory_space<hbm>> -> memref<16x3200xf32, #tpu.memory_space<hbm>>
    tpu.wait_dma2 semaphore(%arg11 : memref<!tpu.dma_semaphore, #tpu.memory_space<semaphore_mem>>) src(%arg8 : memref<16x3200xf32, #tpu.memory_space<vmem>>) dst(%dma_wait3A_54 : memref<16x3200xf32, #tpu.memory_space<hbm>>)
    %dma_wait3A_55 = arith.constant 0 : i32
    %dma_wait3A_56 = arith.constant 0 : i32
    %dma_wait3A_57 = tpu.memref_slice %arg4[%dma_wait3A_55, %dma_wait3A_56] : memref<16x3200000xf32, #tpu.memory_space<hbm>> -> memref<16x3200xf32, #tpu.memory_space<hbm>>
    %dma_wait3A_58 = arith.constant 0 : i32
    %dma_wait3A_59 = arith.constant 0 : i32
    %dma_wait3A_60 = tpu.memref_slice %arg4[%dma_wait3A_58, %dma_wait3A_59] : memref<16x3200000xf32, #tpu.memory_space<hbm>> -> memref<16x3200xf32, #tpu.memory_space<hbm>>
    tpu.wait_dma2 semaphore(%arg12 : memref<!tpu.dma_semaphore, #tpu.memory_space<semaphore_mem>>) src(%arg9 : memref<16x3200xf32, #tpu.memory_space<vmem>>) dst(%dma_wait3A_60 : memref<16x3200xf32, #tpu.memory_space<hbm>>)
    return
  }
}

</mosaic_0001>

<sc_bundles>
// kernel: _sc_embedding_lookup.3.cloned.1.call-start
scs
__scs_entry_jumppad:
0x0: {  	(pc) =	sbr.rel $0x88, $3  }
0x1: {  	(tag) =	ssettag $0x0;
	lr =	simm.s32 $0x1  }
0x2: {  	[smem:$0x3F9F] =	sst lr;
	_ =	strace $0xD0000000  }
0x3: {  	_ = 	snop  }
0x4: {  	_ = 	snop  }
0x5: {  	_ = 	snop  }
0x6: {  	_ = 	snop  }
0x7: {  	_ = 	snop  }
__scs_overlays_trampoline_lowered:
0x8: {  	[smem:$0x3FAE] =	sst s0  }
0x9: {  	[smem:$0x3FAF] =	sst s1  }
0xa: {  	[smem:$0x3FB0] =	sst s2  }
0xb: {  	[smem:$0x3FB1] =	sst s3  }
0xc: {  	[smem:$0x3FB2] =	sst s4  }
0xd: {  	[smem:$0x3FB3] =	sst s5  }
0xe: {  	[smem:$0x3FB4] =	sst s6  }
0xf: {  	[smem:$0x3FB5] =	sst s7  }
0x10: {  	[smem:$0x3FB6] =	sst s8  }
0x11: {  	[smem:$0x3FB7] =	sst s9;
	s0 =	simm.s32 @!p0 $0x0  }
0x12: {  	s1 =	sld [smem:$0x3F9D];
	s0 =	simm.s32 @p0 $0x1  }
0x13: {  	[smem:$0x3FB8] =	sst s0;
	s0 =	simm.s32 @!p1 $0x0  }
0x14: {  	s2 =	sld [smem:$0x3F9C];
	s0 =	simm.s32 @p1 $0x1  }
0x15: {  	[smem:$0x3FB9] =	sst s0;
	s0 =	simm.s32 @!p2 $0x0  }
0x16: {  	s3 =	sld [smem:$0x3FDB];
	s0 =	simm.s32 @p2 $0x1  }
0x17: {  	s4 =	simm.s32 $0x1BF5;
	[smem:$0x3FBB] =	sst s0  }
0x18: {  	s0 =	sld [smem:$0x3F9E];
	_ =	swait.ge [sflag:s4], $0x0  }
0x19: {  	s7 =	sld [smem:$0x3F9F]  }
0x1a: {  	s8 =	sadd.s32 $0xFFFFE003, lr  }
0x1b: {  	s9 =	sadd.s32 $0xFFFFFEF7, lr;
	s5 =	simm.s32 $0xFFFFFFFF;
	p2 =	slt.u32 s8, $0xFFFFF086  }
0x1c: {  	p1 =	slt.u32 s9, $0xF7A;
	s5 =	simm.s32 @!p2 $0x0  }
0x1d: {  	s5 =	simm.s32 @p1 $0x1;
	p0 =	seq.s32 s7, s2  }
0x1e: {  	s7 =	smul.u32 @!p0 $0xF7A, s2;
	p2 =	seq.s32 @!p0 s5, $0x0  }
0x1f: {  	s9 =	smul.u32 $0xF7A, s1;
	s8 =	simm.s32 @!p0 $0x1BF5;
	p2 =	por !p2, p0  }
0x20: {  	[sflag:s8] =	ssyncset.s32 @!p0 $0xFFFFF086;
	s6 =	sadd.s32 @!p0 s3, s7;
	s7 =	simm.s32 @!p0 $0x108  }
0x21: {  	s3 =	sadd.s32 s3, s9;
	s6 =	sadd.s32 @!p0 $0x88, s6;
	s7 =	simm.s32 @p2 $0x1082  }
0x22: {  	[simem:s7], [sflag:s8] =	dma.local @!p0 [hbm:s6], $0xF7A  }
0x23: {  	s9 =	sor.u32 $0xD0000000, s2;
	s6 =	simm.s32 $0x108;
	_ =	swait.ge @!p0 [sflag:s8], $0x0  }
0x24: {  	s3 =	sadd.s32 $0x88, s3;
	s6 =	simm.s32 @!p1 $0x1082;
	[sflag:s4] =	ssyncset.s32 $0xFFFFF086  }
0x25: {  	[simem:s6], [sflag:s4] =	dma.local [hbm:s3], $0xF7A  }
0x26: {  	[smem:$0x3F9F] =	sst s1;
	(tag) =	ssettag s2;
	_ =	strace s9  }
0x27: {  	s1 =	sld [smem:$0x3FAF]  }
0x28: {  	s2 =	sld [smem:$0x3FB0]  }
0x29: {  	s4 =	sld [smem:$0x3FB2]  }
0x2a: {  	p0 =	seq.s32 s5, $0x0;
	s5 =	sld [smem:$0x3FB3]  }
0x2b: {  	s6 =	sld [smem:$0x3FB4]  }
0x2c: {  	s7 =	sld [smem:$0x3FB5]  }
0x2d: {  	s3 =	simm.s32 $0x108;
	s8 =	sld [smem:$0x3FB6]  }
0x2e: {  	s3 =	simm.s32 @!p0 $0x1082;
	s9 =	sld [smem:$0x3FB7]  }
0x2f: {  	lr =	sadd.s32 s0, s3;
	s0 =	sld [smem:$0x3FAE]  }
0x30: {  	s3 =	sld [smem:$0x3FB1]  }
0x31: {  	[smem:$0x3FBA] =	sst s10  }
0x32: {  	s10 =	sld [smem:$0x3FB8];
	_ =	sdelay $0x3  }
0x33: {  	p0 =	seq.s32 s10, $0x1;
	s10 =	sld [smem:$0x3FBA];
	_ =	sdelay $0x3  }
0x34: {  	[smem:$0x3FBA] =	sst s10  }
0x35: {  	s10 =	sld [smem:$0x3FB9];
	_ =	sdelay $0x3  }
0x36: {  	p1 =	seq.s32 s10, $0x1;
	s10 =	sld [smem:$0x3FBA];
	_ =	sdelay $0x3  }
0x37: {  	[smem:$0x3FBA] =	sst s10  }
0x38: {  	s10 =	sld [smem:$0x3FBB]  }
0x39: {  	_ = 	snop;
	(pc) =	sbr.ind lr, $3  }
0x3a: {  	_ = 	snop  }
0x3b: {  	_ = 	snop  }
0x3c: {  	p2 =	seq.s32 s10, $0x1;
	s10 =	sld [smem:$0x3FBA]  }
0x3d: {  	_ =	shalt  }
0x3e: {  	_ =	shalt  }
0x3f: {  	_ =	shalt  }
0x40: {  	_ =	shalt  }
0x41: {  	_ =	shalt  }
0x42: {  	_ =	shalt  }
0x43: {  	_ =	shalt  }
0x44: {  	_ =	shalt  }
0x45: {  	_ =	shalt  }
0x46: {  	_ =	shalt  }
0x47: {  	_ =	shalt  }
0x48: {  	_ =	shalt  }
0x49: {  	_ =	shalt  }
0x4a: {  	_ =	shalt  }
0x4b: {  	_ =	shalt  }
0x4c: {  	_ =	shalt  }
0x4d: {  	_ =	shalt  }
0x4e: {  	_ =	shalt  }
0x4f: {  	_ =	shalt  }
0x50: {  	_ =	shalt  }
0x51: {  	_ =	shalt  }
0x52: {  	_ =	shalt  }
0x53: {  	_ =	shalt  }
0x54: {  	_ =	shalt  }
0x55: {  	_ =	shalt  }
0x56: {  	_ =	shalt  }
0x57: {  	_ =	shalt  }
0x58: {  	_ =	shalt  }
0x59: {  	_ =	shalt  }
0x5a: {  	_ =	shalt  }
0x5b: {  	_ =	shalt  }
0x5c: {  	_ =	shalt  }
0x5d: {  	_ =	shalt  }
0x5e: {  	_ =	shalt  }
0x5f: {  	_ =	shalt  }
0x60: {  	_ =	shalt  }
0x61: {  	_ =	shalt  }
0x62: {  	_ =	shalt  }
0x63: {  	_ =	shalt  }
0x64: {  	_ =	shalt  }
0x65: {  	_ =	shalt  }
0x66: {  	_ =	shalt  }
0x67: {  	_ =	shalt  }
0x68: {  	_ =	shalt  }
0x69: {  	_ =	shalt  }
0x6a: {  	_ =	shalt  }
0x6b: {  	_ =	shalt  }
0x6c: {  	_ =	shalt  }
0x6d: {  	_ =	shalt  }
0x6e: {  	_ =	shalt  }
0x6f: {  	_ =	shalt  }
0x70: {  	_ =	shalt  }
0x71: {  	_ =	shalt  }
0x72: {  	_ =	shalt  }
0x73: {  	_ =	shalt  }
0x74: {  	_ =	shalt  }
0x75: {  	_ =	shalt  }
0x76: {  	_ =	shalt  }
0x77: {  	_ =	shalt  }
0x78: {  	_ =	shalt  }
0x79: {  	_ =	shalt  }
0x7a: {  	_ =	shalt  }
0x7b: {  	_ =	shalt  }
0x7c: {  	_ =	shalt  }
0x7d: {  	_ =	shalt  }
0x7e: {  	_ =	shalt  }
0x7f: {  	_ =	shalt  }
0x80: {  	_ =	shalt  }
0x81: {  	_ =	shalt  }
0x82: {  	_ =	shalt  }
0x83: {  	_ =	shalt  }
0x84: {  	_ =	shalt  }
0x85: {  	_ =	shalt  }
0x86: {  	_ =	shalt  }
0x87: {  	_ =	shalt  }
.Lfunc_end0:
.L_simem_size_0:
called_computation_lowered:
.L_overlay_start_0:
0x88: {  	s2 =	sld [smem:$0x3FD9]  }
0x89: {  	s3 =	sld [smem:$0x3FFE];
	_ =	sdelay $0x1  }
0x8a: {  	s1 =	srdreg.scid  }
0x8b: {  	s0 =	sand.u32 $0x1, s1  }
0x8c: {  	s18 =	sshll.u32 s0, $0xA;
	s2 =	sadd.s32 s3, s2  }
0x8d: {  	s2 =	sadd.s32 s2, s18  }
0x8e: {  	[smem:$0x3FC6] =	sst s2  }
0x8f: {  	_ = 	snop  }
0x90: {  	s2 =	sld [smem:$0x3FC9]  }
0x91: {  	s19 =	sld [smem:$0x3FC8]  }
0x92: {  	s4 =	sld [smem:$0x3FD0];
	(tm) =	ssettm $0x1  }
0x93: {  	s5 =	sld [smem:$0x3FFB];
	_ =	sdelay $0x3  }
0x94: {  	_ =	strace s5  }
0x95: {  	s5 =	sld [smem:$0x3FFC];
	_ =	sdelay $0x3  }
0x96: {  	_ =	strace s5  }
0x97: {  	s5 =	sld [smem:$0x3FFD];
	_ =	sdelay $0x3  }
0x98: {  	_ =	strace s5  }
0x99: {  	_ =	strace $0x8FFFFFFF  }
0x9a: {  	s20 =	sld [smem:$0x3FDB];
	_ =	sdelay $0x1  }
0x9b: {  	s6 =	simm.s32 $_scs_section_size  }
0x9c: {  	s7 =	simm.s32 $_size__tile_overlayer_lowered;
	s8 =	simm.s32 $_tile_overlayer_lowered  }
0x9d: {  	s23 =	simm.s32 $0x1BFF;
	s22 =	sshll.u32 s8, $0x1;
	s5 =	sadd.s32 s6, s20  }
0x9e: {  	s9 =	simm.s32 $0x0;
	s21 =	sshll.u32 s7, $0x1;
	s7 =	sadd.s32 s22, s5  }
0x9f: {  	[timem:s9], [sflag:s23] =	dma.local [hbm:s7], s21  }
0xa0: {  	_ =	swait.ge [sflag:s23], s21  }
0xa1: {  	s6 =	ssub.s32 $0x0, s21;
	[sflag:s23] =	ssyncset.done $0x0  }
0xa2: {  	[sflag:s23] =	ssyncadd.s32 s6;
	_ =	sdelay $0x1  }
0xa3: {  	s24 =	simm.s32 $0x1B8B  }
0xa4: {  	_ =	swait.ge [sflag:s24], $0x1  }
0xa5: {  	[sflag:s24] =	ssyncset.done $0x0  }
0xa6: {  	s25 =	simm.s32 $0x1B8E;
	[sflag:s24] =	ssyncadd.s32 $0xFFFFFFFF  }
0xa7: {  	s26 =	simm.s32 $execute0_lowered;
	[smem:$0x3FD2] =	sst s25  }
0xa8: {  	s6 =	sshll.u32 s26, $0x1;
	_ =	strace $0x80000046;
	[dreg:$0x1] =	wrdreg $0xFFFFFFFF  }
0xa9: {  	s28 =	simm.s32 $_size_execute0_lowered;
	s5 =	sadd.s32 s5, s6;
	[dreg:$0x0] =	wrdreg $0x0  }
0xaa: {  	s6 =	sshll.u32 s28, $0x1;
	[dreg:$0x2] =	wrdreg s5  }
0xab: {  	[dreg:$0x3] =	wrdreg s6  }
0xac: {  	[dreg:$0x4] =	wrdreg $0xC0  }
0xad: {  	_ =	task [dreg:s9], $0x5FFFF  }
0xae: {  	[dreg:$0x1] =	wrdreg $0xFFFFFFFF  }
0xaf: {  	[dreg:$0x0] =	wrdreg $0x60  }
0xb0: {  	[dreg:$0x2] =	wrdreg s2  }
0xb1: {  	[dreg:$0x3] =	wrdreg s19  }
0xb2: {  	[dreg:$0x4] =	wrdreg s4  }
0xb3: {  	[dreg:$0x5] =	wrdreg $0x9  }
0xb4: {  	_ =	task.clear_ibuf [dreg:s9], $0x6FFFF;
	_ =	strace $0x90000046  }
0xb5: {  	s29 =	simm.s32 $0x9;
	_ =	strace $0x80000048  }
0xb6: {  	_ =	swait.ge [sflag:s29], $0x1  }
0xb7: {  	[sflag:s29] =	ssyncadd.s32 $0xFFFFFFFF  }
0xb8: {  	_ =	strace $0x90000048  }
0xb9: {  	_ =	sfence  }
0xba: {  	s30 =	sld [smem:$0x0];
	_ =	sdelay $0x2  }
0xbb: {  	s31 =	sshll.u32 s1, $0xD;
	s1 =	sshrl.u32 s1, $0x2  }
0xbc: {  	s3 =	sand.u32 $0x4000, s31;
	s1 =	sadd.s32 s1, s30  }
0xbd: {  	s0 =	sor.u32 s3, s0;
	s1 =	sshll.u32 s1, $0x11  }
0xbe: {  	s0 =	sor.u32 s1, s0  }
0xbf: {  	s0 =	sadd.s32 $0x8F2B, s0  }
0xc0: {  	[sflag:s0] =	ssyncadd.remote.s32 $0x1  }
0xc1: {  	_ =	sfence.sel $0xFFFF  }
0xc2: {  	[dreg:$0x0] =	wrdreg $0xFFFFFFFF;
	(pc) =	sbr.abs _section_cstart, $3  }
0xc3: {  	[dreg:$0x1] =	wrdreg $0xFFFFFFFF  }
0xc4: {  	_ =	task.clear_ibuf [dreg:s9], $0x2FFFF;
	_ =	strace $0x9FFFFFFF  }
0xc5: {  	(tm) =	ssettm $0x7FFFFFFF  }
tec
execute0_lowered:
.L_overlay_start_1:
0x0: {  	(tag) =	ssettag $0x1  }
0x1: {  	s0 =	srdreg.scid;
	s3 =	stileid.u32  }
0x2: {  	s0 =	sand.u32 $0x1, s0;
	s1 =	sshll.u32 s3, $0x1  }
0x3: {  	s4 =	rddreg [dreg:$0x1];
	s5 =	simm.s32 $0x0;
	s1 =	sor.u32 s0, s1  }
0x4: {  	[smem:$0x7FF] =	sst s5;
	p0 =	slt.u32 s3, $0x4;
	s2 =	smul.u32 $0x1F, s1  }
0x5: {  	s3 =	simm.s32 $0x20;
	s0 =	ssub.s32 $0x2, s0;
	s1 =	smin.u32 s1, $0x8  }
0x6: {  	s3 =	simm.s32 @!p0 $0x1F;
	s28 =	sshrl.u32 s0, $0x1;
	s1 =	sadd.s32 s1, s2  }
0x7: {  	s29 =	sadd.s32 $0xFFFFFFFF, s3;
	s30 =	sadd.s32 $0xFFFFFFFE, s3;
	[dreg:$0x6] =	wrdreg s1  }
0x8: {  	s0 =	ssub.s32 s0, s28;
	_ =	strace $0x80000047;
	[dreg:$0x9] =	wrdreg s29  }
.Ltmp0:
0x9: {  	s0 =	smax.u32 s0, $0x1;
	[dreg:$0xa] =	wrdreg s30;
	(pc) =	sbr.rel .LBB2_1-.Ltmp0, $4  }
0xa: {  	s31 =	simm.s32 $0x0;
	s1 =	smul.u32 $0x190, s1;
	[dreg:$0xb] =	wrdreg s0  }
0xb: {  	[dreg:$0xc] =	wrdreg s31  }
0xc: {  	[dreg:$0x7] =	wrdreg s3;
	s1 =	sadd.s32 s4, s1  }
0xd: {  	[dreg:$0x8] =	wrdreg s1  }
.LBB2_11:
0xe: {  	s0 =	simm.s32 $0x2  }
0xf: {  	_ =	swait.ge [sflag:s0], $0xC800  }
0x10: {  	[sflag:s0] =	ssyncset.done $0x0  }
0x11: {  	s1 =	simm.s32 $0x3;
	[sflag:s0] =	ssyncadd.s32 $0xFFFF3800  }
0x12: {  	_ =	swait.ge [sflag:s1], $0xC800  }
0x13: {  	s2 =	rddreg [dreg:$0xc]  }
0x14: {  	s31 =	rddreg [dreg:$0xb];
	s2 =	sadd.s32 $0x1, s2  }
0x15: {  	p0 =	sne.s32 s2, s31  }
.Ltmp1:
0x16: {  	_ = 	snop;
	(pc) =	sbr.rel @!p0 .LBB2_12-.Ltmp1, $3  }
0x17: {  	_ =	sdelay $0x1  }
0x18: {  	[sflag:s1] =	ssyncset.done $0x0  }
0x19: {  	[sflag:s1] =	ssyncadd.s32 $0xFFFF3800;
	[dreg:$0xc] =	wrdreg s2  }
.LBB2_1:
0x1a: {  	s0 =	rddreg [dreg:$0x0];
	s1 =	simm.s32 $0x0;
	s30 =	simm.s32 $0x4  }
0x1b: {  	[tilespmem:s1], [sflag:$0x4] =	stream.linear.gather [hbm4b:s0+s1], $0x100, $0x38;
	[tilespmem:$0x1AA00] =	vst v63  }
0x1c: {  	_ =	swait.ge [sflag:s30], $0x100  }
0x1d: {  	[sflag:s30] =	ssyncset.done $0x0  }
0x1e: {  	[sflag:s30] =	ssyncadd.s32 $0xFFFFFF00  }
0x1f: {  	v0 =	vld [tilespmem:$0x0]  }
0x20: {  	v1 =	vld [tilespmem:$0x10]  }
0x21: {  	v2 =	vld [tilespmem:$0x20]  }
0x22: {  	v3 =	vld [tilespmem:$0x30]  }
0x23: {  	v4 =	vld [tilespmem:$0x40]  }
0x24: {  	v5 =	vld [tilespmem:$0x50]  }
0x25: {  	v6 =	vld [tilespmem:$0x60]  }
0x26: {  	v7 =	vld [tilespmem:$0x70]  }
0x27: {  	v8 =	vld [tilespmem:$0x80]  }
0x28: {  	v9 =	vld [tilespmem:$0x90]  }
0x29: {  	v10 =	vld [tilespmem:$0xA0]  }
.Ltmp2:
0x2a: {  	v11 =	vld [tilespmem:$0xB0];
	(pc) =	sbr.rel .LBB2_2-.Ltmp2, $4  }
0x2b: {  	v12 =	vld [tilespmem:$0xC0]  }
0x2c: {  	v13 =	vld [tilespmem:$0xD0]  }
0x2d: {  	s2 =	simm.s32 $0x100;
	s4 =	simm.s32 $0x0;
	s31 =	rddreg [dreg:$0x8];
	v14 =	vld [tilespmem:$0xE0]  }
0x2e: {  	v15 =	vld [tilespmem:$0xF0];
	[tilespmem:s2], [sflag:$0x1] =	stream.linear.gather [hbm4b:s31+s1], $0xC80, $0x38  }
.LBB2_10:
0x2f: {  	s4 =	sadd.s32 $0x1, s4  }
0x30: {  	p0 =	sne.s32 s4, $0x10  }
.Ltmp3:
0x31: {  	_ = 	snop;
	(pc) =	sbr.rel @!p0 .LBB2_11-.Ltmp3, $1  }
0x32: {  	_ =	sdelay $0x3  }
.LBB2_2:
0x33: {  	s2 =	sshll.u32 s4, $0x1  }
0x34: {  	p0 =	sge.u32 s2, s3  }
.Ltmp4:
0x35: {  	_ = 	snop;
	(pc) =	sbr.rel @p0 .LBB2_6-.Ltmp4, $2  }
0x36: {  	_ =	sdelay $0x2  }
0x37: {  	[dreg:$0xd] =	wrdreg s4  }
0x38: {  	s0 =	rddreg [dreg:$0x6]  }
0x39: {  	s20 =	rddreg [dreg:$0x9]  }
0x3a: {  	[dreg:$0xe] =	wrdreg s2;
	s1 =	sadd.s32 s0, s2  }
0x3b: {  	s21 =	simm.s32 $0x1;
	[dreg:$0xf] =	wrdreg s1  }
0x3c: {  	p0 =	sge.u32 s2, s20;
	_ =	swait.ge [sflag:s21], $0xC80  }
0x3d: {  	s0 =	smul.u32 @!p0 $0xC80, s1;
	[sflag:s21] =	ssyncset.done $0x0  }
0x3e: {  	[sflag:s21] =	ssyncadd.s32 $0xFFFFF380  }
0x3f: {  	s0 =	sshrl.u32 @!p0 s0, $0x3;
	s1 =	rddreg [dreg:$0x1]  }
0x40: {  	s0 =	sadd.s32 @!p0 s1, s0  }
0x41: {  	s2 =	simm.s32 @!p0 $0xD80;
	s1 =	simm.s32 @!p0 $0x0;
	s0 =	sadd.s32 @!p0 $0x190, s0  }
0x42: {  	[tilespmem:s2], [sflag:$0x1] =	stream.linear.gather @!p0 [hbm4b:s0+s1], $0xC80, $0x38;
	[tilespmem:$0x1AA00] =	vst v63  }
0x43: {  	p0 =	seq.s32 s4, $0x0  }
0x44: {  	s0 =	simm.s32 @!p0 $0x2  }
0x45: {  	_ =	swait.ge @!p0 [sflag:s0], $0xC800  }
0x46: {  	[sflag:s0] =	ssyncset.done @!p0 $0x0  }
0x47: {  	s22 =	simm.s32 $0x100;
	[sflag:s0] =	ssyncadd.s32 @!p0 $0xFFFF3800  }
0x48: {  	v16 =	vld [tilespmem:s22+$0x0];
	_ =	sdelay $0x2  }
0x49: {  	s7 =	simm.s32 $0x0  }
0x4a: {  	s3 =	sand.u32 $0x7C00, s7  }
0x4b: {  	s1 =	sadd.s32 $0x1A00, s3;
	s0 =	sand.u32 $0x40, s7;
	v17 =	vperm.xlane v0, v16  }
0x4c: {  	s2 =	simm.s32 $0x1;
	p0 =	por $0x0, $0x0;
	s23 =	sor.u32 s0, s1;
	v18 =	vperm.xlane v3, v16  }
0x4d: {  	s2 =	simm.s32 @!p0 $0x0;
	v19 =	vperm.xlane v2, v16;
	[tilespmem:s23+$0x0] =	vst v17  }
0x4e: {  	s2 =	sshll.u32 s2, $0x6;
	v17 =	vperm.xlane v1, v16;
	[tilespmem:s23+$0x180] =	vst v18  }
0x4f: {  	s2 =	sadd.s32 $0x0, s2;
	v18 =	vperm.xlane v4, v16;
	[tilespmem:s23+$0x100] =	vst v19  }
0x50: {  	s24 =	sor.u32 $0x200, s2;
	[tilespmem:s23+$0x80] =	vst v17;
	v17 =	vperm.xlane v5, v16  }
0x51: {  	s25 =	sor.u32 $0x280, s2;
	[tilespmem:s24+$0x1A00] =	vst v18;
	v18 =	vperm.xlane v6, v16  }
0x52: {  	s26 =	sor.u32 $0x300, s2;
	[tilespmem:s25+$0x1A00] =	vst v17;
	v17 =	vperm.xlane v7, v16  }
0x53: {  	s5 =	sadd.s32 $0x7E00, s3;
	s30 =	sor.u32 $0x380, s2;
	[tilespmem:s26+$0x1A00] =	vst v18;
	v18 =	vperm.xlane v8, v16  }
0x54: {  	s8 =	sadd.s32 $0x7E80, s3;
	s6 =	sor.u32 s0, s5;
	[tilespmem:s30+$0x1A00] =	vst v17;
	v17 =	vperm.xlane v9, v16  }
0x55: {  	s11 =	sadd.s32 $0x7F00, s3;
	s9 =	sor.u32 s0, s8;
	[tilespmem:s6+$0x0] =	vst v18;
	v18 =	vperm.xlane v10, v16  }
0x56: {  	s13 =	sadd.s32 $0x7F80, s3;
	s10 =	sor.u32 s0, s11;
	[tilespmem:s9+$0x0] =	vst v17;
	v17 =	vperm.xlane v11, v16  }
0x57: {  	s12 =	sor.u32 $0x8000, s3;
	s14 =	sor.u32 s0, s13;
	[tilespmem:s10+$0x0] =	vst v18;
	v18 =	vperm.xlane v12, v16  }
0x58: {  	s17 =	sor.u32 $0x8080, s3;
	s15 =	sor.u32 s0, s12;
	[tilespmem:s14+$0x0] =	vst v17;
	v17 =	vperm.xlane v13, v16  }
0x59: {  	s19 =	sor.u32 $0x8100, s3;
	s16 =	sor.u32 s0, s17;
	[tilespmem:s15+$0x0] =	vst v18;
	v18 =	vperm.xlane v14, v16  }
0x5a: {  	s20 =	sor.u32 $0x8180, s3;
	s21 =	sand.u32 $0xF80, s7;
	s18 =	sor.u32 s0, s19;
	v16 =	vperm.xlane v15, v16;
	[tilespmem:s16+$0x0] =	vst v17  }
0x5b: {  	s21 =	sadd.s32 $0x100, s21;
	s22 =	sor.u32 s0, s20;
	s9 =	sor.u32 $0x10, s0;
	[tilespmem:s18+$0x0] =	vst v18  }
0x5c: {  	s3 =	sor.u32 s9, s21;
	[tilespmem:s22+$0x0] =	vst v16  }
0x5d: {  	v16 =	vld [tilespmem:s3+$0x0];
	_ =	sdelay $0x4  }
0x5e: {  	v17 =	vperm.xlane v0, v16  }
0x5f: {  	s23 =	sor.u32 s9, s1;
	v18 =	vperm.xlane v1, v16  }
0x60: {  	v19 =	vperm.xlane v3, v16;
	[tilespmem:s23+$0x0] =	vst v17  }
0x61: {  	v17 =	vperm.xlane v2, v16;
	[tilespmem:s23+$0x80] =	vst v18  }
0x62: {  	s24 =	sadd.s32 $0x10, s2;
	[tilespmem:s23+$0x180] =	vst v19;
	v18 =	vperm.xlane v4, v16  }
0x63: {  	s25 =	sor.u32 $0x200, s24;
	[tilespmem:s23+$0x100] =	vst v17;
	v17 =	vperm.xlane v5, v16  }
0x64: {  	s26 =	sor.u32 $0x280, s24;
	[tilespmem:s25+$0x1A00] =	vst v18;
	v18 =	vperm.xlane v6, v16  }
0x65: {  	s30 =	sor.u32 $0x300, s24;
	[tilespmem:s26+$0x1A00] =	vst v17;
	v17 =	vperm.xlane v7, v16  }
0x66: {  	s4 =	sor.u32 $0x380, s24;
	[tilespmem:s30+$0x1A00] =	vst v18;
	v18 =	vperm.xlane v8, v16  }
0x67: {  	s6 =	sor.u32 s9, s5;
	[tilespmem:s4+$0x1A00] =	vst v17;
	v17 =	vperm.xlane v9, v16  }
0x68: {  	s10 =	sor.u32 s9, s8;
	[tilespmem:s6+$0x0] =	vst v18;
	v18 =	vperm.xlane v10, v16  }
0x69: {  	s14 =	sor.u32 s9, s11;
	[tilespmem:s10+$0x0] =	vst v17;
	v17 =	vperm.xlane v11, v16  }
0x6a: {  	s15 =	sor.u32 s9, s13;
	[tilespmem:s14+$0x0] =	vst v18;
	v18 =	vperm.xlane v12, v16  }
0x6b: {  	s16 =	sor.u32 s9, s12;
	[tilespmem:s15+$0x0] =	vst v17;
	v17 =	vperm.xlane v13, v16  }
0x6c: {  	s18 =	sor.u32 s9, s17;
	[tilespmem:s16+$0x0] =	vst v18;
	v18 =	vperm.xlane v14, v16  }
0x6d: {  	s22 =	sor.u32 s9, s19;
	v16 =	vperm.xlane v15, v16;
	[tilespmem:s18+$0x0] =	vst v17  }
0x6e: {  	s23 =	sor.u32 s9, s20;
	s4 =	sor.u32 $0x20, s0;
	[tilespmem:s22+$0x0] =	vst v18  }
0x6f: {  	s24 =	sor.u32 s4, s21;
	[tilespmem:s23+$0x0] =	vst v16  }
0x70: {  	v16 =	vld [tilespmem:s24+$0x0];
	_ =	sdelay $0x4  }
0x71: {  	v17 =	vperm.xlane v0, v16  }
0x72: {  	s25 =	sor.u32 s4, s1;
	v18 =	vperm.xlane v1, v16  }
0x73: {  	v19 =	vperm.xlane v3, v16;
	[tilespmem:s25+$0x0] =	vst v17  }
0x74: {  	v17 =	vperm.xlane v2, v16;
	[tilespmem:s25+$0x80] =	vst v18  }
0x75: {  	s26 =	sadd.s32 $0x20, s2;
	[tilespmem:s25+$0x180] =	vst v19;
	v18 =	vperm.xlane v4, v16  }
0x76: {  	s30 =	sor.u32 $0x200, s26;
	[tilespmem:s25+$0x100] =	vst v17;
	v17 =	vperm.xlane v5, v16  }
0x77: {  	s9 =	sor.u32 $0x280, s26;
	[tilespmem:s30+$0x1A00] =	vst v18;
	v18 =	vperm.xlane v6, v16  }
0x78: {  	s10 =	sor.u32 $0x300, s26;
	[tilespmem:s9+$0x1A00] =	vst v17;
	v17 =	vperm.xlane v7, v16  }
0x79: {  	s14 =	sor.u32 $0x380, s26;
	[tilespmem:s10+$0x1A00] =	vst v18;
	v18 =	vperm.xlane v8, v16  }
0x7a: {  	s15 =	sor.u32 s4, s5;
	[tilespmem:s14+$0x1A00] =	vst v17;
	v17 =	vperm.xlane v9, v16  }
0x7b: {  	s16 =	sor.u32 s4, s8;
	[tilespmem:s15+$0x0] =	vst v18;
	v18 =	vperm.xlane v10, v16  }
0x7c: {  	s18 =	sor.u32 s4, s11;
	[tilespmem:s16+$0x0] =	vst v17;
	v17 =	vperm.xlane v11, v16  }
0x7d: {  	s22 =	sor.u32 s4, s13;
	[tilespmem:s18+$0x0] =	vst v18;
	v18 =	vperm.xlane v12, v16  }
0x7e: {  	s23 =	sor.u32 s4, s12;
	[tilespmem:s22+$0x0] =	vst v17;
	v17 =	vperm.xlane v13, v16  }
0x7f: {  	s24 =	sor.u32 s4, s17;
	[tilespmem:s23+$0x0] =	vst v18;
	v18 =	vperm.xlane v14, v16  }
0x80: {  	s25 =	sor.u32 s4, s19;
	v16 =	vperm.xlane v15, v16;
	[tilespmem:s24+$0x0] =	vst v17  }
0x81: {  	s26 =	sor.u32 s4, s20;
	s30 =	sor.u32 $0x30, s0;
	[tilespmem:s25+$0x0] =	vst v18  }
0x82: {  	s0 =	sor.u32 s30, s21;
	[tilespmem:s26+$0x0] =	vst v16  }
0x83: {  	v16 =	vld [tilespmem:s0+$0x0];
	_ =	sdelay $0x4  }
0x84: {  	s28 =	simm.s32 $0x40;
	s29 =	simm.s32 $0x140;
	s31 =	sadd.s32 $0x30, s2;
	v17 =	vperm.xlane v0, v16  }
0x85: {  	s21 =	sor.u32 s30, s13;
	s13 =	sor.u32 s30, s17;
	s6 =	sor.u32 s30, s1;
	v20 =	vperm.xlane v1, v16  }
0x86: {  	s3 =	sor.u32 s30, s5;
	s17 =	sor.u32 s30, s19;
	s2 =	sor.u32 s30, s20;
	v21 =	vperm.xlane v3, v16;
	[tilespmem:s6+$0x0] =	vst v17  }
0x87: {  	s5 =	sor.u32 s30, s8;
	s4 =	sor.u32 s30, s11;
	s1 =	sor.u32 s30, s12;
	v19 =	vperm.xlane v2, v16;
	v18 =	vperm.xlane v4, v16;
	[tilespmem:s6+$0x80] =	vst v20  }
0x88: {  	s8 =	sor.u32 $0x200, s31;
	s26 =	simm.s32 $0x0;
	s0 =	sor.u32 $0x280, s31;
	v17 =	vperm.xlane v6, v16;
	[tilespmem:s6+$0x180] =	vst v21;
	v20 =	vperm.xlane v5, v16  }
.LBB2_4:
0x89: {  	[tilespmem:s6+$0x100] =	vst v19  }
0x8a: {  	[tilespmem:s8+$0x1A00] =	vst v18  }
0x8b: {  	s10 =	sor.u32 $0x300, s31;
	v18 =	vperm.xlane v7, v16;
	[tilespmem:s0+$0x1A00] =	vst v20  }
0x8c: {  	s11 =	sor.u32 $0x380, s31;
	v19 =	vperm.xlane v8, v16;
	[tilespmem:s10+$0x1A00] =	vst v17  }
0x8d: {  	v17 =	vperm.xlane v9, v16;
	[tilespmem:s11+$0x1A00] =	vst v18  }
0x8e: {  	v18 =	vperm.xlane v10, v16;
	[tilespmem:s3+$0x0] =	vst v19  }
0x8f: {  	v19 =	vperm.xlane v11, v16;
	[tilespmem:s5+$0x0] =	vst v17  }
0x90: {  	v17 =	vperm.xlane v12, v16;
	[tilespmem:s4+$0x0] =	vst v18  }
0x91: {  	v18 =	vperm.xlane v13, v16;
	[tilespmem:s21+$0x0] =	vst v19  }
0x92: {  	v19 =	vperm.xlane v14, v16;
	[tilespmem:s1+$0x0] =	vst v17  }
0x93: {  	v16 =	vperm.xlane v15, v16;
	[tilespmem:s13+$0x0] =	vst v18  }
0x94: {  	[tilespmem:s17+$0x0] =	vst v19  }
0x95: {  	[tilespmem:s2+$0x0] =	vst v16  }
0x96: {  	v16 =	vld [tilespmem:s29+$0x0];
	_ =	sdelay $0x2  }
0x97: {  	s7 =	sadd.s32 $0x200, s7  }
0x98: {  	s0 =	sand.u32 $0x7C00, s7  }
0x99: {  	s30 =	sadd.s32 $0x1A00, s0;
	s13 =	sand.u32 $0x40, s28;
	v17 =	vperm.xlane v0, v16  }
0x9a: {  	p0 =	por !p0, !p0;
	s4 =	simm.s32 $0x1;
	s12 =	sor.u32 s13, s30;
	v20 =	vperm.xlane v3, v16  }
0x9b: {  	s4 =	simm.s32 @!p0 $0x0;
	v19 =	vperm.xlane v2, v16;
	[tilespmem:s12+$0x0] =	vst v17  }
0x9c: {  	s4 =	sshll.u32 s4, $0x6;
	v17 =	vperm.xlane v1, v16;
	[tilespmem:s12+$0x180] =	vst v20  }
0x9d: {  	s21 =	sadd.s32 s4, s7;
	v18 =	vperm.xlane v4, v16;
	[tilespmem:s12+$0x100] =	vst v19  }
0x9e: {  	s15 =	sor.u32 $0x200, s21;
	[tilespmem:s12+$0x80] =	vst v17;
	v17 =	vperm.xlane v5, v16  }
0x9f: {  	s16 =	sor.u32 $0x280, s21;
	[tilespmem:s15+$0x1A00] =	vst v18;
	v18 =	vperm.xlane v6, v16  }
0xa0: {  	s18 =	sor.u32 $0x300, s21;
	[tilespmem:s16+$0x1A00] =	vst v17;
	v17 =	vperm.xlane v7, v16  }
0xa1: {  	s20 =	sor.u32 $0x380, s21;
	s2 =	sadd.s32 $0x7E00, s0;
	[tilespmem:s18+$0x1A00] =	vst v18;
	v18 =	vperm.xlane v8, v16  }
0xa2: {  	s5 =	sadd.s32 $0x7E80, s0;
	s9 =	sor.u32 s13, s2;
	[tilespmem:s20+$0x1A00] =	vst v17;
	v17 =	vperm.xlane v9, v16  }
0xa3: {  	s8 =	sor.u32 $0x8000, s0;
	s1 =	sadd.s32 $0x7F00, s0;
	s17 =	sor.u32 s13, s5;
	[tilespmem:s9+$0x0] =	vst v18;
	v18 =	vperm.xlane v10, v16  }
0xa4: {  	s14 =	sor.u32 s13, s1;
	s6 =	sadd.s32 $0x10, s21;
	s20 =	sadd.s32 $0x7F80, s0;
	[tilespmem:s17+$0x0] =	vst v17;
	v17 =	vperm.xlane v11, v16  }
0xa5: {  	s31 =	sadd.s32 $0x30, s21;
	s17 =	sadd.s32 $0x20, s21;
	s21 =	sor.u32 s13, s20;
	[tilespmem:s14+$0x0] =	vst v18;
	v18 =	vperm.xlane v12, v16  }
0xa6: {  	[dreg:$0x4] =	wrdreg s7;
	s11 =	sor.u32 $0x8080, s0;
	s7 =	sor.u32 s13, s8;
	[tilespmem:s21+$0x0] =	vst v17;
	v17 =	vperm.xlane v13, v16  }
0xa7: {  	s24 =	sor.u32 s13, s11;
	s12 =	sor.u32 $0x8100, s0;
	[tilespmem:s7+$0x0] =	vst v18;
	v18 =	vperm.xlane v14, v16  }
0xa8: {  	s19 =	sor.u32 $0x8180, s0;
	s23 =	sor.u32 s13, s12;
	v16 =	vperm.xlane v15, v16;
	[tilespmem:s24+$0x0] =	vst v17;
	s24 =	sand.u32 $0xF80, s28  }
0xa9: {  	s22 =	sor.u32 s13, s19;
	s25 =	sor.u32 $0x10, s13;
	[tilespmem:s23+$0x0] =	vst v18;
	s21 =	sadd.s32 $0x100, s24  }
0xaa: {  	[tilespmem:s22+$0x0] =	vst v16;
	s7 =	sor.u32 s25, s21  }
0xab: {  	v16 =	vld [tilespmem:s7+$0x0];
	_ =	sdelay $0x3  }
0xac: {  	s10 =	sor.u32 s25, s1;
	s4 =	sor.u32 s25, s8;
	s15 =	sor.u32 s25, s2  }
0xad: {  	s3 =	sor.u32 s25, s12;
	s16 =	sor.u32 s25, s5;
	s18 =	sor.u32 s25, s19;
	v17 =	vperm.xlane v0, v16  }
0xae: {  	s9 =	sor.u32 s25, s11;
	s14 =	sor.u32 s25, s20;
	s25 =	sor.u32 s25, s30;
	v18 =	vperm.xlane v1, v16  }
0xaf: {  	v20 =	vperm.xlane v3, v16;
	[tilespmem:s25+$0x0] =	vst v17  }
0xb0: {  	v19 =	vperm.xlane v2, v16;
	[tilespmem:s25+$0x80] =	vst v18  }
0xb1: {  	[tilespmem:s25+$0x180] =	vst v20;
	v17 =	vperm.xlane v4, v16  }
0xb2: {  	s22 =	sor.u32 $0x200, s6;
	[tilespmem:s25+$0x100] =	vst v19;
	v18 =	vperm.xlane v5, v16  }
0xb3: {  	s23 =	sor.u32 $0x280, s6;
	[tilespmem:s22+$0x1A00] =	vst v17;
	v17 =	vperm.xlane v6, v16  }
0xb4: {  	s24 =	sor.u32 $0x300, s6;
	[tilespmem:s23+$0x1A00] =	vst v18;
	v18 =	vperm.xlane v7, v16  }
0xb5: {  	s6 =	sor.u32 $0x380, s6;
	[tilespmem:s24+$0x1A00] =	vst v17;
	v17 =	vperm.xlane v8, v16  }
0xb6: {  	[tilespmem:s6+$0x1A00] =	vst v18;
	v18 =	vperm.xlane v9, v16  }
0xb7: {  	[tilespmem:s15+$0x0] =	vst v17;
	v17 =	vperm.xlane v10, v16  }
0xb8: {  	[tilespmem:s16+$0x0] =	vst v18;
	v18 =	vperm.xlane v11, v16  }
0xb9: {  	[tilespmem:s10+$0x0] =	vst v17;
	v17 =	vperm.xlane v12, v16  }
0xba: {  	[tilespmem:s14+$0x0] =	vst v18;
	v18 =	vperm.xlane v13, v16  }
0xbb: {  	[tilespmem:s4+$0x0] =	vst v17;
	v17 =	vperm.xlane v14, v16  }
0xbc: {  	v16 =	vperm.xlane v15, v16;
	[tilespmem:s9+$0x0] =	vst v18  }
0xbd: {  	s25 =	sor.u32 $0x20, s13;
	[tilespmem:s3+$0x0] =	vst v17  }
0xbe: {  	s10 =	sor.u32 s25, s21;
	[tilespmem:s18+$0x0] =	vst v16  }
0xbf: {  	v16 =	vld [tilespmem:s10+$0x0];
	_ =	sdelay $0x4  }
0xc0: {  	v17 =	vperm.xlane v0, v16  }
0xc1: {  	s3 =	sor.u32 s25, s30;
	v18 =	vperm.xlane v1, v16  }
0xc2: {  	v20 =	vperm.xlane v3, v16;
	[tilespmem:s3+$0x0] =	vst v17  }
0xc3: {  	s7 =	sor.u32 s25, s11;
	s24 =	sor.u32 s25, s12;
	s6 =	sor.u32 s25, s20;
	v19 =	vperm.xlane v2, v16;
	[tilespmem:s3+$0x80] =	vst v18  }
0xc4: {  	s15 =	sor.u32 s25, s5;
	s16 =	sor.u32 s25, s19;
	s14 =	sor.u32 s25, s2;
	[tilespmem:s3+$0x180] =	vst v20;
	v17 =	vperm.xlane v4, v16  }
0xc5: {  	s9 =	sor.u32 s25, s1;
	s10 =	sor.u32 s25, s8;
	s25 =	sor.u32 $0x200, s17;
	[tilespmem:s3+$0x100] =	vst v19;
	v18 =	vperm.xlane v5, v16  }
0xc6: {  	s18 =	sor.u32 $0x280, s17;
	[tilespmem:s25+$0x1A00] =	vst v17;
	v17 =	vperm.xlane v6, v16  }
0xc7: {  	s22 =	sor.u32 $0x300, s17;
	[tilespmem:s18+$0x1A00] =	vst v18;
	v18 =	vperm.xlane v7, v16  }
0xc8: {  	s23 =	sor.u32 $0x380, s17;
	[tilespmem:s22+$0x1A00] =	vst v17;
	v17 =	vperm.xlane v8, v16  }
0xc9: {  	[tilespmem:s23+$0x1A00] =	vst v18;
	v18 =	vperm.xlane v9, v16  }
0xca: {  	[tilespmem:s14+$0x0] =	vst v17;
	v17 =	vperm.xlane v10, v16  }
0xcb: {  	[tilespmem:s15+$0x0] =	vst v18;
	v18 =	vperm.xlane v11, v16  }
0xcc: {  	[tilespmem:s9+$0x0] =	vst v17;
	v17 =	vperm.xlane v12, v16  }
0xcd: {  	[tilespmem:s6+$0x0] =	vst v18;
	v18 =	vperm.xlane v13, v16  }
0xce: {  	[tilespmem:s10+$0x0] =	vst v17;
	v17 =	vperm.xlane v14, v16  }
0xcf: {  	v16 =	vperm.xlane v15, v16;
	[tilespmem:s7+$0x0] =	vst v18  }
0xd0: {  	[tilespmem:s24+$0x0] =	vst v17;
	s24 =	sor.u32 $0x30, s13  }
0xd1: {  	[tilespmem:s16+$0x0] =	vst v16;
	s25 =	sor.u32 s24, s21  }
0xd2: {  	v16 =	vld [tilespmem:s25+$0x0];
	_ =	sdelay $0x2  }
0xd3: {  	s26 =	sadd.s32 $0x4, s26  }
0xd4: {  	p1 =	slt.u32 s26, $0xC4  }
.Ltmp5:
0xd5: {  	s29 =	sadd.s32 $0x40, s29;
	s0 =	sor.u32 $0x280, s31;
	v17 =	vperm.xlane v0, v16;
	(pc) =	sbr.rel @p1 .LBB2_4-.Ltmp5, $4  }
0xd6: {  	s28 =	sadd.s32 $0x40, s28;
	s7 =	rddreg [dreg:$0x4];
	s6 =	sor.u32 s24, s30;
	v20 =	vperm.xlane v1, v16  }
0xd7: {  	s21 =	sor.u32 s24, s20;
	s13 =	sor.u32 s24, s11;
	s3 =	sor.u32 s24, s2;
	v21 =	vperm.xlane v3, v16;
	[tilespmem:s6+$0x0] =	vst v17  }
0xd8: {  	s17 =	sor.u32 s24, s12;
	s2 =	sor.u32 s24, s19;
	s5 =	sor.u32 s24, s5;
	v19 =	vperm.xlane v2, v16;
	v18 =	vperm.xlane v4, v16;
	[tilespmem:s6+$0x80] =	vst v20  }
0xd9: {  	s4 =	sor.u32 s24, s1;
	s1 =	sor.u32 s24, s8;
	s8 =	sor.u32 $0x200, s31;
	v17 =	vperm.xlane v6, v16;
	[tilespmem:s6+$0x180] =	vst v21;
	v20 =	vperm.xlane v5, v16  }
0xda: {  	[tilespmem:s6+$0x100] =	vst v19  }
0xdb: {  	[tilespmem:s8+$0x1A00] =	vst v18  }
0xdc: {  	s24 =	sor.u32 $0x300, s31;
	v58 =	vperm.xlane v7, v16;
	[tilespmem:s0+$0x1A00] =	vst v20  }
0xdd: {  	s25 =	sor.u32 $0x380, s31;
	v59 =	vperm.xlane v8, v16;
	[tilespmem:s24+$0x1A00] =	vst v17  }
0xde: {  	v17 =	vperm.xlane v9, v16;
	[tilespmem:s25+$0x1A00] =	vst v58  }
0xdf: {  	v60 =	vperm.xlane v10, v16;
	[tilespmem:s3+$0x0] =	vst v59  }
0xe0: {  	v61 =	vperm.xlane v11, v16;
	[tilespmem:s5+$0x0] =	vst v17  }
0xe1: {  	v17 =	vperm.xlane v12, v16;
	[tilespmem:s4+$0x0] =	vst v60  }
0xe2: {  	v62 =	vperm.xlane v13, v16;
	s26 =	rddreg [dreg:$0xf];
	[tilespmem:s21+$0x0] =	vst v61  }
0xe3: {  	v63 =	vperm.xlane v14, v16;
	s28 =	rddreg [dreg:$0x2];
	[tilespmem:s1+$0x0] =	vst v17  }
0xe4: {  	s0 =	smul.u32 $0xC80, s26;
	s3 =	rddreg [dreg:$0x7];
	v16 =	vperm.xlane v15, v16;
	[tilespmem:s13+$0x0] =	vst v62  }
0xe5: {  	s29 =	simm.s32 $0x6400;
	s30 =	simm.s32 $0x186A000;
	s4 =	rddreg [dreg:$0xd];
	[tilespmem:s17+$0x0] =	vst v63  }
0xe6: {  	s31 =	simm.s32 $0x1A00;
	s0 =	sadd.s32 s28, s0;
	[tilespmem:s2+$0x0] =	vst v16;
	s2 =	rddreg [dreg:$0xe]  }
0xe7: {  	[hbm4b:s0+s29] =	stream.strided.scatter [tilespmem:s31], [sflag:$0x2], $0xC800, s30, s29, $0x38;
	[tilespmem:$0x1AA00] =	vst v63  }
.LBB2_6:
0xe8: {  	s0 =	sor.u32 $0x1, s2  }
0xe9: {  	p0 =	sge.u32 s0, s3  }
.Ltmp6:
0xea: {  	_ = 	snop;
	(pc) =	sbr.rel @p0 .LBB2_10-.Ltmp6, $1  }
0xeb: {  	_ =	sdelay $0x3  }
0xec: {  	s1 =	rddreg [dreg:$0x6]  }
0xed: {  	s9 =	rddreg [dreg:$0xa];
	s1 =	sadd.s32 s1, s0  }
0xee: {  	s10 =	simm.s32 $0x1;
	[dreg:$0x10] =	wrdreg s1  }
0xef: {  	p0 =	sge.u32 s2, s9;
	_ =	swait.ge [sflag:s10], $0xC80  }
0xf0: {  	s0 =	smul.u32 @!p0 $0xC80, s1;
	[sflag:s10] =	ssyncset.done $0x0  }
0xf1: {  	[sflag:s10] =	ssyncadd.s32 $0xFFFFF380  }
0xf2: {  	s0 =	sshrl.u32 @!p0 s0, $0x3;
	s1 =	rddreg [dreg:$0x1]  }
0xf3: {  	s0 =	sadd.s32 @!p0 s1, s0  }
0xf4: {  	s2 =	simm.s32 @!p0 $0x100;
	s1 =	simm.s32 @!p0 $0x0;
	s0 =	sadd.s32 @!p0 $0x190, s0  }
0xf5: {  	[tilespmem:s2], [sflag:$0x1] =	stream.linear.gather @!p0 [hbm4b:s0+s1], $0xC80, $0x38;
	[tilespmem:$0x1AA00] =	vst v63  }
0xf6: {  	p0 =	seq.s32 s4, $0x0  }
0xf7: {  	s0 =	simm.s32 @!p0 $0x3  }
0xf8: {  	_ =	swait.ge @!p0 [sflag:s0], $0xC800  }
0xf9: {  	[sflag:s0] =	ssyncset.done @!p0 $0x0  }
0xfa: {  	s11 =	simm.s32 $0xD80;
	[sflag:s0] =	ssyncadd.s32 @!p0 $0xFFFF3800  }
0xfb: {  	v16 =	vld [tilespmem:s11+$0x0];
	_ =	sdelay $0x2  }
0xfc: {  	s9 =	simm.s32 $0x0  }
0xfd: {  	s3 =	sand.u32 $0x7C00, s9  }
0xfe: {  	s1 =	sadd.s32 $0xE200, s3;
	s0 =	sand.u32 $0x40, s9;
	v17 =	vperm.xlane v0, v16  }
0xff: {  	s2 =	simm.s32 $0x1;
	p0 =	por $0x0, $0x0;
	s12 =	sor.u32 s0, s1;
	v18 =	vperm.xlane v3, v16  }
0x100: {  	s2 =	simm.s32 @!p0 $0x0;
	v19 =	vperm.xlane v2, v16;
	[tilespmem:s12+$0x0] =	vst v17  }
0x101: {  	s2 =	sshll.u32 s2, $0x6;
	v17 =	vperm.xlane v1, v16;
	[tilespmem:s12+$0x180] =	vst v18  }
0x102: {  	s2 =	sadd.s32 $0x0, s2;
	v18 =	vperm.xlane v4, v16;
	[tilespmem:s12+$0x100] =	vst v19  }
0x103: {  	s13 =	sor.u32 $0x200, s2;
	[tilespmem:s12+$0x80] =	vst v17;
	v17 =	vperm.xlane v5, v16  }
0x104: {  	s14 =	sor.u32 $0x280, s2;
	[tilespmem:s13+$0xE200] =	vst v18;
	v18 =	vperm.xlane v6, v16  }
0x105: {  	s15 =	sor.u32 $0x300, s2;
	[tilespmem:s14+$0xE200] =	vst v17;
	v17 =	vperm.xlane v7, v16  }
0x106: {  	s5 =	sadd.s32 $0x14600, s3;
	s16 =	sor.u32 $0x380, s2;
	[tilespmem:s15+$0xE200] =	vst v18;
	v18 =	vperm.xlane v8, v16  }
0x107: {  	s8 =	sadd.s32 $0x14680, s3;
	s6 =	sor.u32 s0, s5;
	[tilespmem:s16+$0xE200] =	vst v17;
	v17 =	vperm.xlane v9, v16  }
0x108: {  	s11 =	sadd.s32 $0x14700, s3;
	s17 =	sor.u32 s0, s8;
	[tilespmem:s6+$0x0] =	vst v18;
	v18 =	vperm.xlane v10, v16  }
0x109: {  	s18 =	sor.u32 s0, s11;
	s13 =	sadd.s32 $0x14780, s3;
	[tilespmem:s17+$0x0] =	vst v17;
	v17 =	vperm.xlane v11, v16  }
0x10a: {  	s12 =	sadd.s32 $0x14800, s3;
	s19 =	sor.u32 s0, s13;
	[tilespmem:s18+$0x0] =	vst v18;
	v18 =	vperm.xlane v12, v16  }
0x10b: {  	s20 =	sor.u32 s0, s12;
	s17 =	sadd.s32 $0x14880, s3;
	[tilespmem:s19+$0x0] =	vst v17;
	v17 =	vperm.xlane v13, v16  }
0x10c: {  	s21 =	sor.u32 s0, s17;
	s19 =	sadd.s32 $0x14900, s3;
	[tilespmem:s20+$0x0] =	vst v18;
	v18 =	vperm.xlane v14, v16  }
0x10d: {  	s23 =	sand.u32 $0xF80, s9;
	s22 =	sor.u32 s0, s19;
	s20 =	sadd.s32 $0x14980, s3;
	v16 =	vperm.xlane v15, v16;
	[tilespmem:s21+$0x0] =	vst v17  }
0x10e: {  	s7 =	sor.u32 $0x10, s0;
	s24 =	sor.u32 s0, s20;
	s21 =	sadd.s32 $0xD80, s23;
	[tilespmem:s22+$0x0] =	vst v18  }
0x10f: {  	s3 =	sor.u32 s7, s21;
	[tilespmem:s24+$0x0] =	vst v16  }
0x110: {  	v16 =	vld [tilespmem:s3+$0x0];
	_ =	sdelay $0x4  }
0x111: {  	v17 =	vperm.xlane v0, v16  }
0x112: {  	s25 =	sor.u32 s7, s1;
	v18 =	vperm.xlane v1, v16  }
0x113: {  	v19 =	vperm.xlane v3, v16;
	[tilespmem:s25+$0x0] =	vst v17  }
0x114: {  	v17 =	vperm.xlane v2, v16;
	[tilespmem:s25+$0x80] =	vst v18  }
0x115: {  	s26 =	sadd.s32 $0x10, s2;
	[tilespmem:s25+$0x180] =	vst v19;
	v18 =	vperm.xlane v4, v16  }
0x116: {  	s29 =	sor.u32 $0x200, s26;
	[tilespmem:s25+$0x100] =	vst v17;
	v17 =	vperm.xlane v5, v16  }
0x117: {  	s31 =	sor.u32 $0x280, s26;
	[tilespmem:s29+$0xE200] =	vst v18;
	v18 =	vperm.xlane v6, v16  }
0x118: {  	s6 =	sor.u32 $0x300, s26;
	[tilespmem:s31+$0xE200] =	vst v17;
	v17 =	vperm.xlane v7, v16  }
0x119: {  	s10 =	sor.u32 $0x380, s26;
	[tilespmem:s6+$0xE200] =	vst v18;
	v18 =	vperm.xlane v8, v16  }
0x11a: {  	s14 =	sor.u32 s7, s5;
	[tilespmem:s10+$0xE200] =	vst v17;
	v17 =	vperm.xlane v9, v16  }
0x11b: {  	s15 =	sor.u32 s7, s8;
	[tilespmem:s14+$0x0] =	vst v18;
	v18 =	vperm.xlane v10, v16  }
0x11c: {  	s16 =	sor.u32 s7, s11;
	[tilespmem:s15+$0x0] =	vst v17;
	v17 =	vperm.xlane v11, v16  }
0x11d: {  	s18 =	sor.u32 s7, s13;
	[tilespmem:s16+$0x0] =	vst v18;
	v18 =	vperm.xlane v12, v16  }
0x11e: {  	s22 =	sor.u32 s7, s12;
	[tilespmem:s18+$0x0] =	vst v17;
	v17 =	vperm.xlane v13, v16  }
0x11f: {  	s23 =	sor.u32 s7, s17;
	[tilespmem:s22+$0x0] =	vst v18;
	v18 =	vperm.xlane v14, v16  }
0x120: {  	s24 =	sor.u32 s7, s19;
	v16 =	vperm.xlane v15, v16;
	[tilespmem:s23+$0x0] =	vst v17  }
0x121: {  	s4 =	sor.u32 $0x20, s0;
	s25 =	sor.u32 s7, s20;
	[tilespmem:s24+$0x0] =	vst v18  }
0x122: {  	s26 =	sor.u32 s4, s21;
	[tilespmem:s25+$0x0] =	vst v16  }
0x123: {  	v16 =	vld [tilespmem:s26+$0x0];
	_ =	sdelay $0x4  }
0x124: {  	v17 =	vperm.xlane v0, v16  }
0x125: {  	s29 =	sor.u32 s4, s1;
	v18 =	vperm.xlane v1, v16  }
0x126: {  	v19 =	vperm.xlane v3, v16;
	[tilespmem:s29+$0x0] =	vst v17  }
0x127: {  	v17 =	vperm.xlane v2, v16;
	[tilespmem:s29+$0x80] =	vst v18  }
0x128: {  	s31 =	sadd.s32 $0x20, s2;
	[tilespmem:s29+$0x180] =	vst v19;
	v18 =	vperm.xlane v4, v16  }
0x129: {  	s7 =	sor.u32 $0x200, s31;
	[tilespmem:s29+$0x100] =	vst v17;
	v17 =	vperm.xlane v5, v16  }
0x12a: {  	s10 =	sor.u32 $0x280, s31;
	[tilespmem:s7+$0xE200] =	vst v18;
	v18 =	vperm.xlane v6, v16  }
0x12b: {  	s14 =	sor.u32 $0x300, s31;
	[tilespmem:s10+$0xE200] =	vst v17;
	v17 =	vperm.xlane v7, v16  }
0x12c: {  	s15 =	sor.u32 $0x380, s31;
	[tilespmem:s14+$0xE200] =	vst v18;
	v18 =	vperm.xlane v8, v16  }
0x12d: {  	s16 =	sor.u32 s4, s5;
	[tilespmem:s15+$0xE200] =	vst v17;
	v17 =	vperm.xlane v9, v16  }
0x12e: {  	s18 =	sor.u32 s4, s8;
	[tilespmem:s16+$0x0] =	vst v18;
	v18 =	vperm.xlane v10, v16  }
0x12f: {  	s22 =	sor.u32 s4, s11;
	[tilespmem:s18+$0x0] =	vst v17;
	v17 =	vperm.xlane v11, v16  }
0x130: {  	s23 =	sor.u32 s4, s13;
	[tilespmem:s22+$0x0] =	vst v18;
	v18 =	vperm.xlane v12, v16  }
0x131: {  	s24 =	sor.u32 s4, s12;
	[tilespmem:s23+$0x0] =	vst v17;
	v17 =	vperm.xlane v13, v16  }
0x132: {  	s25 =	sor.u32 s4, s17;
	[tilespmem:s24+$0x0] =	vst v18;
	v18 =	vperm.xlane v14, v16  }
0x133: {  	s26 =	sor.u32 s4, s19;
	v16 =	vperm.xlane v15, v16;
	[tilespmem:s25+$0x0] =	vst v17  }
0x134: {  	s31 =	sor.u32 $0x30, s0;
	s29 =	sor.u32 s4, s20;
	[tilespmem:s26+$0x0] =	vst v18  }
0x135: {  	s0 =	sor.u32 s31, s21;
	[tilespmem:s29+$0x0] =	vst v16  }
0x136: {  	v16 =	vld [tilespmem:s0+$0x0];
	_ =	sdelay $0x4  }
0x137: {  	s28 =	simm.s32 $0xDC0;
	s30 =	sadd.s32 $0x30, s2;
	s21 =	sor.u32 s31, s13;
	v17 =	vperm.xlane v0, v16  }
0x138: {  	s6 =	sor.u32 s31, s1;
	s3 =	sor.u32 s31, s5;
	s2 =	sor.u32 s31, s20;
	v20 =	vperm.xlane v1, v16  }
0x139: {  	s5 =	sor.u32 s31, s8;
	s1 =	sor.u32 s31, s12;
	s8 =	sor.u32 $0x200, s30;
	v21 =	vperm.xlane v3, v16;
	[tilespmem:s6+$0x0] =	vst v17  }
0x13a: {  	s13 =	sor.u32 s31, s17;
	s17 =	sor.u32 s31, s19;
	s4 =	sor.u32 s31, s11;
	v19 =	vperm.xlane v2, v16;
	v18 =	vperm.xlane v4, v16;
	[tilespmem:s6+$0x80] =	vst v20  }
0x13b: {  	s25 =	simm.s32 $0x0;
	s26 =	simm.s32 $0x40;
	s0 =	sor.u32 $0x280, s30;
	v17 =	vperm.xlane v6, v16;
	[tilespmem:s6+$0x180] =	vst v21;
	v20 =	vperm.xlane v5, v16  }
.LBB2_8:
0x13c: {  	[tilespmem:s6+$0x100] =	vst v19  }
0x13d: {  	[tilespmem:s8+$0xE200] =	vst v18  }
0x13e: {  	s29 =	sor.u32 $0x300, s30;
	v18 =	vperm.xlane v7, v16;
	[tilespmem:s0+$0xE200] =	vst v20  }
0x13f: {  	s31 =	sor.u32 $0x380, s30;
	v19 =	vperm.xlane v8, v16;
	[tilespmem:s29+$0xE200] =	vst v17  }
0x140: {  	v17 =	vperm.xlane v9, v16;
	[tilespmem:s31+$0xE200] =	vst v18  }
0x141: {  	v18 =	vperm.xlane v10, v16;
	[tilespmem:s3+$0x0] =	vst v19  }
0x142: {  	v19 =	vperm.xlane v11, v16;
	[tilespmem:s5+$0x0] =	vst v17  }
0x143: {  	v17 =	vperm.xlane v12, v16;
	[tilespmem:s4+$0x0] =	vst v18  }
0x144: {  	v18 =	vperm.xlane v13, v16;
	[tilespmem:s21+$0x0] =	vst v19  }
0x145: {  	v19 =	vperm.xlane v14, v16;
	[tilespmem:s1+$0x0] =	vst v17  }
0x146: {  	v16 =	vperm.xlane v15, v16;
	[tilespmem:s13+$0x0] =	vst v18  }
0x147: {  	[tilespmem:s17+$0x0] =	vst v19  }
0x148: {  	[tilespmem:s2+$0x0] =	vst v16  }
0x149: {  	v16 =	vld [tilespmem:s28+$0x0];
	_ =	sdelay $0x2  }
0x14a: {  	s9 =	sadd.s32 $0x200, s9  }
0x14b: {  	s0 =	sand.u32 $0x7C00, s9  }
0x14c: {  	s29 =	sadd.s32 $0xE200, s0;
	s13 =	sand.u32 $0x40, s26;
	v17 =	vperm.xlane v0, v16  }
0x14d: {  	p0 =	por !p0, !p0;
	s4 =	simm.s32 $0x1;
	s6 =	sor.u32 s13, s29;
	v20 =	vperm.xlane v3, v16  }
0x14e: {  	s4 =	simm.s32 @!p0 $0x0;
	v19 =	vperm.xlane v2, v16;
	[tilespmem:s6+$0x0] =	vst v17  }
0x14f: {  	s4 =	sshll.u32 s4, $0x6;
	v17 =	vperm.xlane v1, v16;
	[tilespmem:s6+$0x180] =	vst v20  }
0x150: {  	s21 =	sadd.s32 s4, s9;
	v18 =	vperm.xlane v4, v16;
	[tilespmem:s6+$0x100] =	vst v19  }
0x151: {  	s10 =	sor.u32 $0x200, s21;
	[tilespmem:s6+$0x80] =	vst v17;
	v17 =	vperm.xlane v5, v16  }
0x152: {  	s15 =	sor.u32 $0x280, s21;
	[tilespmem:s10+$0xE200] =	vst v18;
	v18 =	vperm.xlane v6, v16  }
0x153: {  	s16 =	sor.u32 $0x300, s21;
	[tilespmem:s15+$0xE200] =	vst v17;
	v17 =	vperm.xlane v7, v16  }
0x154: {  	s20 =	sor.u32 $0x380, s21;
	s2 =	sadd.s32 $0x14600, s0;
	[tilespmem:s16+$0xE200] =	vst v18;
	v18 =	vperm.xlane v8, v16  }
0x155: {  	s5 =	sadd.s32 $0x14680, s0;
	s7 =	sor.u32 s13, s2;
	[tilespmem:s20+$0xE200] =	vst v17;
	v17 =	vperm.xlane v9, v16  }
0x156: {  	s8 =	sadd.s32 $0x14800, s0;
	s1 =	sadd.s32 $0x14700, s0;
	s17 =	sor.u32 s13, s5;
	[tilespmem:s7+$0x0] =	vst v18;
	v18 =	vperm.xlane v10, v16  }
0x157: {  	s14 =	sor.u32 s13, s1;
	s30 =	sadd.s32 $0x30, s21;
	s20 =	sadd.s32 $0x14780, s0;
	[tilespmem:s17+$0x0] =	vst v17;
	v17 =	vperm.xlane v11, v16  }
0x158: {  	s6 =	sadd.s32 $0x10, s21;
	s17 =	sadd.s32 $0x20, s21;
	s21 =	sor.u32 s13, s20;
	[tilespmem:s14+$0x0] =	vst v18;
	v18 =	vperm.xlane v12, v16  }
0x159: {  	s11 =	sadd.s32 $0x14880, s0;
	s22 =	sor.u32 s13, s8;
	[tilespmem:s21+$0x0] =	vst v17;
	v17 =	vperm.xlane v13, v16  }
0x15a: {  	s12 =	sadd.s32 $0x14900, s0;
	s31 =	sor.u32 s13, s11;
	[tilespmem:s22+$0x0] =	vst v18;
	v18 =	vperm.xlane v14, v16  }
0x15b: {  	s19 =	sadd.s32 $0x14980, s0;
	s24 =	sor.u32 s13, s12;
	v16 =	vperm.xlane v15, v16;
	s22 =	sand.u32 $0xF80, s26;
	[tilespmem:s31+$0x0] =	vst v17  }
0x15c: {  	s23 =	sor.u32 s13, s19;
	s18 =	sor.u32 $0x10, s13;
	s21 =	sadd.s32 $0xD80, s22;
	[tilespmem:s24+$0x0] =	vst v18  }
0x15d: {  	s31 =	sor.u32 s18, s21;
	[tilespmem:s23+$0x0] =	vst v16  }
0x15e: {  	v16 =	vld [tilespmem:s31+$0x0];
	_ =	sdelay $0x2  }
0x15f: {  	[dreg:$0x5] =	wrdreg s9  }
0x160: {  	s4 =	sor.u32 s18, s8;
	s9 =	sor.u32 s18, s11;
	s3 =	sor.u32 s18, s12  }
0x161: {  	s10 =	sor.u32 s18, s1;
	s15 =	sor.u32 s18, s2;
	s16 =	sor.u32 s18, s5;
	v17 =	vperm.xlane v0, v16  }
0x162: {  	s7 =	sor.u32 s18, s19;
	s14 =	sor.u32 s18, s20;
	s18 =	sor.u32 s18, s29;
	v18 =	vperm.xlane v1, v16  }
0x163: {  	v20 =	vperm.xlane v3, v16;
	[tilespmem:s18+$0x0] =	vst v17  }
0x164: {  	v19 =	vperm.xlane v2, v16;
	[tilespmem:s18+$0x80] =	vst v18  }
0x165: {  	[tilespmem:s18+$0x180] =	vst v20;
	v17 =	vperm.xlane v4, v16  }
0x166: {  	s22 =	sor.u32 $0x200, s6;
	[tilespmem:s18+$0x100] =	vst v19;
	v18 =	vperm.xlane v5, v16  }
0x167: {  	s23 =	sor.u32 $0x280, s6;
	[tilespmem:s22+$0xE200] =	vst v17;
	v17 =	vperm.xlane v6, v16  }
0x168: {  	s24 =	sor.u32 $0x300, s6;
	[tilespmem:s23+$0xE200] =	vst v18;
	v18 =	vperm.xlane v7, v16  }
0x169: {  	s6 =	sor.u32 $0x380, s6;
	[tilespmem:s24+$0xE200] =	vst v17;
	v17 =	vperm.xlane v8, v16  }
0x16a: {  	[tilespmem:s6+$0xE200] =	vst v18;
	v18 =	vperm.xlane v9, v16  }
0x16b: {  	[tilespmem:s15+$0x0] =	vst v17;
	v17 =	vperm.xlane v10, v16  }
0x16c: {  	[tilespmem:s16+$0x0] =	vst v18;
	v18 =	vperm.xlane v11, v16  }
0x16d: {  	[tilespmem:s10+$0x0] =	vst v17;
	v17 =	vperm.xlane v12, v16  }
0x16e: {  	[tilespmem:s14+$0x0] =	vst v18;
	v18 =	vperm.xlane v13, v16  }
0x16f: {  	[tilespmem:s4+$0x0] =	vst v17;
	v17 =	vperm.xlane v14, v16  }
0x170: {  	v16 =	vperm.xlane v15, v16;
	[tilespmem:s9+$0x0] =	vst v18  }
0x171: {  	s31 =	sor.u32 $0x20, s13;
	[tilespmem:s3+$0x0] =	vst v17  }
0x172: {  	s10 =	sor.u32 s31, s21;
	[tilespmem:s7+$0x0] =	vst v16  }
0x173: {  	v16 =	vld [tilespmem:s10+$0x0];
	_ =	sdelay $0x4  }
0x174: {  	v17 =	vperm.xlane v0, v16  }
0x175: {  	s3 =	sor.u32 s31, s29;
	v18 =	vperm.xlane v1, v16  }
0x176: {  	v20 =	vperm.xlane v3, v16;
	[tilespmem:s3+$0x0] =	vst v17  }
0x177: {  	s24 =	sor.u32 s31, s12;
	s6 =	sor.u32 s31, s20;
	s15 =	sor.u32 s31, s5;
	v19 =	vperm.xlane v2, v16;
	[tilespmem:s3+$0x80] =	vst v18  }
0x178: {  	s16 =	sor.u32 s31, s19;
	s14 =	sor.u32 s31, s2;
	s9 =	sor.u32 s31, s1;
	[tilespmem:s3+$0x180] =	vst v20;
	v17 =	vperm.xlane v4, v16  }
0x179: {  	s7 =	sor.u32 s31, s11;
	s10 =	sor.u32 s31, s8;
	s31 =	sor.u32 $0x200, s17;
	[tilespmem:s3+$0x100] =	vst v19;
	v18 =	vperm.xlane v5, v16  }
0x17a: {  	s18 =	sor.u32 $0x280, s17;
	[tilespmem:s31+$0xE200] =	vst v17;
	v17 =	vperm.xlane v6, v16  }
0x17b: {  	s22 =	sor.u32 $0x300, s17;
	[tilespmem:s18+$0xE200] =	vst v18;
	v18 =	vperm.xlane v7, v16  }
0x17c: {  	s23 =	sor.u32 $0x380, s17;
	[tilespmem:s22+$0xE200] =	vst v17;
	v17 =	vperm.xlane v8, v16  }
0x17d: {  	[tilespmem:s23+$0xE200] =	vst v18;
	v18 =	vperm.xlane v9, v16  }
0x17e: {  	[tilespmem:s14+$0x0] =	vst v17;
	v17 =	vperm.xlane v10, v16  }
0x17f: {  	[tilespmem:s15+$0x0] =	vst v18;
	v18 =	vperm.xlane v11, v16  }
0x180: {  	[tilespmem:s9+$0x0] =	vst v17;
	v17 =	vperm.xlane v12, v16  }
0x181: {  	[tilespmem:s6+$0x0] =	vst v18;
	v18 =	vperm.xlane v13, v16  }
0x182: {  	[tilespmem:s10+$0x0] =	vst v17;
	v17 =	vperm.xlane v14, v16  }
0x183: {  	v16 =	vperm.xlane v15, v16;
	[tilespmem:s7+$0x0] =	vst v18  }
0x184: {  	[tilespmem:s24+$0x0] =	vst v17;
	s24 =	sor.u32 $0x30, s13  }
0x185: {  	[tilespmem:s16+$0x0] =	vst v16;
	s31 =	sor.u32 s24, s21  }
0x186: {  	v16 =	vld [tilespmem:s31+$0x0];
	_ =	sdelay $0x2  }
0x187: {  	s25 =	sadd.s32 $0x4, s25  }
0x188: {  	p1 =	slt.u32 s25, $0xC4  }
.Ltmp7:
0x189: {  	s28 =	sadd.s32 $0x40, s28;
	s0 =	sor.u32 $0x280, s30;
	v17 =	vperm.xlane v0, v16;
	(pc) =	sbr.rel @p1 .LBB2_8-.Ltmp7, $4  }
0x18a: {  	s26 =	sadd.s32 $0x40, s26;
	s9 =	rddreg [dreg:$0x5];
	s6 =	sor.u32 s24, s29;
	v20 =	vperm.xlane v1, v16  }
0x18b: {  	s21 =	sor.u32 s24, s20;
	s13 =	sor.u32 s24, s11;
	s3 =	sor.u32 s24, s2;
	v21 =	vperm.xlane v3, v16;
	[tilespmem:s6+$0x0] =	vst v17  }
0x18c: {  	s17 =	sor.u32 s24, s12;
	s2 =	sor.u32 s24, s19;
	s5 =	sor.u32 s24, s5;
	v19 =	vperm.xlane v2, v16;
	v18 =	vperm.xlane v4, v16;
	[tilespmem:s6+$0x80] =	vst v20  }
0x18d: {  	s4 =	sor.u32 s24, s1;
	s1 =	sor.u32 s24, s8;
	s8 =	sor.u32 $0x200, s30;
	v17 =	vperm.xlane v6, v16;
	[tilespmem:s6+$0x180] =	vst v21;
	v20 =	vperm.xlane v5, v16  }
0x18e: {  	[tilespmem:s6+$0x100] =	vst v19  }
0x18f: {  	[tilespmem:s8+$0xE200] =	vst v18  }
0x190: {  	s24 =	sor.u32 $0x300, s30;
	v58 =	vperm.xlane v7, v16;
	[tilespmem:s0+$0xE200] =	vst v20  }
0x191: {  	s25 =	sor.u32 $0x380, s30;
	v59 =	vperm.xlane v8, v16;
	[tilespmem:s24+$0xE200] =	vst v17  }
0x192: {  	v17 =	vperm.xlane v9, v16;
	[tilespmem:s25+$0xE200] =	vst v58  }
0x193: {  	v60 =	vperm.xlane v10, v16;
	[tilespmem:s3+$0x0] =	vst v59  }
0x194: {  	v61 =	vperm.xlane v11, v16;
	[tilespmem:s5+$0x0] =	vst v17  }
0x195: {  	v17 =	vperm.xlane v12, v16;
	[tilespmem:s4+$0x0] =	vst v60  }
0x196: {  	v62 =	vperm.xlane v13, v16;
	[tilespmem:s21+$0x0] =	vst v61  }
.Ltmp8:
0x197: {  	v63 =	vperm.xlane v14, v16;
	s26 =	rddreg [dreg:$0x10];
	[tilespmem:s1+$0x0] =	vst v17;
	(pc) =	sbr.rel .LBB2_10-.Ltmp8, $4  }
0x198: {  	s28 =	rddreg [dreg:$0x2];
	s0 =	smul.u32 $0xC80, s26;
	v16 =	vperm.xlane v15, v16;
	[tilespmem:s13+$0x0] =	vst v62  }
0x199: {  	s29 =	simm.s32 $0x6400;
	s30 =	simm.s32 $0x186A000;
	s3 =	rddreg [dreg:$0x7];
	[tilespmem:s17+$0x0] =	vst v63  }
0x19a: {  	s31 =	simm.s32 $0xE200;
	s0 =	sadd.s32 s28, s0;
	s4 =	rddreg [dreg:$0xd];
	[tilespmem:s2+$0x0] =	vst v16  }
0x19b: {  	[hbm4b:s0+s29] =	stream.strided.scatter [tilespmem:s31], [sflag:$0x3], $0xC800, s30, s29, $0x38;
	[tilespmem:$0x1AA00] =	vst v63  }
.LBB2_12:
0x19c: {  	_ =	sfence.sel $0x180000  }
0x19d: {  	[bflag:$0x0] =	sbarrier.arrive $0xFFFF  }
0x19e: {  	_ =	strace $0x90000047  }
0x19f: {  	s0 =	stileid.u32;
	[bflag:$0x2] =	sbarrier.arrive $0xFFFF  }
0x1a0: {  	p0 =	sne.s32 s0, $0x0;
	s0 =	rddreg [dreg:$0x3]  }
0x1a1: {  	s0 =	sadd.s32 @!p0 $0x100000, s0  }
0x1a2: {  	[sflag:s0] =	ssyncadd.tile.s32 @!p0 $0x1;
	_ =	shalt  }
.Lfunc_end2:
_tile_overlayer_lowered:
.L_overlay_start_2:
0x1a3: {  	(tag) =	ssettag $0x2  }
0x1a4: {  	s0 =	rddreg [dreg:$0x0];
	s2 =	stileid.u32  }
0x1a5: {  	s1 =	rddreg [dreg:$0x1];
	p0 =	sne.s32 s2, $0x0  }
0x1a6: {  	s3 =	rddreg [dreg:$0x2];
	[bflag:$0x3] =	sbarrier.arrive $0xFFFF;
	s2 =	simm.s32 @!p0 $0x1C04  }
0x1a7: {  	[timem:s3], [sflag:s2] =	dma.local @!p0 [hbm:s0], s1  }
0x1a8: {  	s0 =	simm.s32 @!p0 $0x4  }
0x1a9: {  	_ =	swait.ge @!p0 [sflag:s0], s1  }
0x1aa: {  	s1 =	ssub.s32 @!p0 $0x0, s1;
	[sflag:s0] =	ssyncset.done @!p0 $0x0  }
0x1ab: {  	[sflag:s0] =	ssyncadd.s32 @!p0 s1  }
0x1ac: {  	[bflag:$0x3] =	sbarrier.arrive $0xFFFF  }
0x1ad: {  	_ =	shalt  }

</sc_bundles>
